<compile_context>
chip_gen: v7x
topology: tpu7x:2x2x1
jax: 0.10.2.dev20260603
libtpu: 0.0.44.dev20260713+nightly
codegen_flags: <defaults>
</compile_context>

<pallas_src>
import jax
import jax.numpy as jnp
from jax import lax
from jax.experimental import pallas as pl
from jax.experimental.pallas import tpu as pltpu
from jax.experimental.pallas import tpu_sc as plsc

_S = 2048
_H = 16
_NB = 32
_MAXD = 128
_NW = 32
_RPW = _S // _NW
_L = 16


def _sc_bias_body(pos_hbm, ttf_hbm, out_hbm, pos_v, tt_v, row_v,
                  sem0, sem1):
    wid = lax.axis_index("s") * 2 + lax.axis_index("c")
    base = wid * _RPW
    pltpu.sync_copy(pos_hbm, pos_v)
    pltpu.sync_copy(ttf_hbm, tt_v)
    sems = (sem0, sem1)

    def compute_row(i, buf):
        pib = plsc.load_gather(pos_v, [jnp.full((_L,), i, jnp.int32)])

        @plsc.parallel_loop(0, _S // _L, unroll=8)
        def chunk(c):
            pj = pos_v[pl.ds(c * _L, _L)]
            d = jnp.clip(pib - pj, -_MAXD, _MAXD) + _MAXD
            b = jnp.minimum(lax.shift_right_arithmetic(d, 3), _NB - 1)
            for h in range(_H):
                row_v[buf, h, pl.ds(c * _L, _L)] = plsc.load_gather(
                    tt_v, [b + h * _NB])

    def pair_loop(g, carry):
        for b in range(2):
            i = base + g * 2 + b

            @pl.when(g > 0)
            def _wait():
                pltpu.make_async_copy(
                    row_v.at[b], out_hbm.at[:, i - 2, :], sems[b]).wait()

            compute_row(i, b)
            pltpu.async_copy(row_v.at[b], out_hbm.at[:, i, :], sems[b])
        return carry

    lax.fori_loop(0, _RPW // 2, pair_loop, 0)
    for b in range(2):
        pltpu.make_async_copy(
            row_v.at[b], out_hbm.at[:, base + _RPW - 2 + b, :],
            sems[b]).wait()


def _scale_fold_kernel(scale_ref, table_ref, out_ref):
    out_ref[...] = scale_ref[...] * table_ref[...].T


@jax.jit
def kernel(positions, scale, table):
    tt = pl.pallas_call(
        _scale_fold_kernel,
        out_shape=jax.ShapeDtypeStruct((_H, _NB), jnp.float32),
    )(scale.reshape(_H, 1), table)
    ttf = tt.reshape(-1)
    pos = positions.reshape(-1)
    mesh = plsc.VectorSubcoreMesh(core_axis_name="c", subcore_axis_name="s")
    sc_call = pl.kernel(
        _sc_bias_body,
        out_type=jax.ShapeDtypeStruct((_H, _S, _S), jnp.float32),
        mesh=mesh,
        scratch_types=[
            pltpu.VMEM((_S,), jnp.int32),
            pltpu.VMEM((_H * _NB,), jnp.float32),
            pltpu.VMEM((2, _H, _S), jnp.float32),
            pltpu.SemaphoreType.DMA,
            pltpu.SemaphoreType.DMA,
        ],
        compiler_params=pltpu.CompilerParams(needs_layout_passes=False),
    )
    out = sc_call(pos, ttf)
    return out[None]

# --- scband reference (transcript-rebuilt; emitter-appended) ---
"""Pipeline reference for scband-learned-alibi-positional-bias-40922448396904 (READ-ONLY COPY).

The authoritative reference and input builder live on the scoring server;
editing this copy changes nothing except your own understanding.
"""

import jax, jax.numpy as jnp
import numpy as np

B = 1
S = 2048
NUM_HEADS = 16
NUM_BUCKETS = 32
MAX_DISTANCE = 128


def setup_inputs(seed: int = 0) -> dict:
    key = jax.random.key(seed)
    k1, k2 = jax.random.split(key)
    positions = jax.random.randint(k1, (B, S), 0, S, dtype=jnp.int32)
    # learned parameters
    scale = jnp.ones((NUM_HEADS, 1, 1), dtype=jnp.float32)  # nn.Parameter(torch.ones(H,1,1))
    table = jax.random.normal(k2, (NUM_BUCKETS, NUM_HEADS), dtype=jnp.float32)  # nn.Embedding(num_buckets, num_heads)
    return {"positions": positions, "scale": scale, "table": table}


def reference(positions, scale, table):
    # distance = positions[:, :, None] - positions[:, None, :]
    distance = positions[:, :, None] - positions[:, None, :]  # [B, S, S]
    distance = jnp.clip(distance, -MAX_DISTANCE, MAX_DISTANCE) + MAX_DISTANCE  # [0, 2*MAX_DISTANCE]
    bucket_size = (2 * MAX_DISTANCE) // NUM_BUCKETS  # 8
    rp_bucket = distance // bucket_size  # 0..NUM_BUCKETS (edge value clamped below)
    rp_bucket = jnp.clip(rp_bucket, 0, NUM_BUCKETS - 1).astype(jnp.int32)
    bias = jnp.take(table, rp_bucket, axis=0)  # [B, S, S, H] embedding lookup
    bias = jnp.transpose(bias, (0, 3, 1, 2))   # [B, H, S, S] so scale [H,1,1] broadcasts per-head
    return scale * bias

if __name__ == "__main__":
    import jax
    _d = setup_inputs()
    print(jax.jit(kernel)(*tuple(_d.values())))

</pallas_src>

<mosaic_0001>
#map = affine_map<(d0, d1) -> (0)>
#map1 = affine_map<(d0, d1) -> (0, 0, 0)>
module attributes {stable_mosaic.version = 14 : i64} {
  func.func @_sc_bias_body(%arg0: i32, %arg1: i32, %arg2: memref<2048xi32, #tpu.memory_space<hbm>>, %arg3: memref<512xf32, #tpu.memory_space<hbm>>, %arg4: memref<16x2048x2048xf32, #tpu.memory_space<hbm>>, %arg5: memref<2048xi32, #tpu.memory_space<vmem>>, %arg6: memref<512xf32, #tpu.memory_space<vmem>>, %arg7: memref<2x16x2048xf32, #tpu.memory_space<vmem>>, %arg8: memref<!tpu.dma_semaphore, #tpu.memory_space<semaphore_mem>>, %arg9: memref<!tpu.dma_semaphore, #tpu.memory_space<semaphore_mem>>) attributes {dimension_semantics = [#tpu.dimension_semantics<core_parallel>, #tpu.dimension_semantics<subcore_parallel>], iteration_bounds = array<i64: 2, 16>, scalar_prefetch = 0 : i64, scratch_operands = 5 : i64, tpu.core_type = #tpu.core_type<sc_vector_subcore>, window_params = [{transform_indices = #map}, {transform_indices = #map}, {transform_indices = #map1}]} {
    %mul3A = arith.constant 2 : i32
    %mul3A_0 = arith.muli %arg1, %mul3A : i32
    %add3A = arith.addi %mul3A_0, %arg0 : i32
    %mul3A_1 = arith.constant 64 : i32
    %mul3A_2 = arith.muli %add3A, %mul3A_1 : i32
    "tpu.region"() ({
      %run_scoped3A = tpu.sem_alloc : memref<!tpu.dma_semaphore, #tpu.memory_space<semaphore_mem>>
      tpu.enqueue_dma source(%arg2 : memref<2048xi32, #tpu.memory_space<hbm>>) target(%arg5 : memref<2048xi32, #tpu.memory_space<vmem>>) target_semaphore(%run_scoped3A : memref<!tpu.dma_semaphore, #tpu.memory_space<semaphore_mem>>)
      tpu.wait_dma2 semaphore(%run_scoped3A : memref<!tpu.dma_semaphore, #tpu.memory_space<semaphore_mem>>) src(%arg2 : memref<2048xi32, #tpu.memory_space<hbm>>) dst(%arg5 : memref<2048xi32, #tpu.memory_space<vmem>>)
      tpu.yield
    }) : () -> ()
    "tpu.region"() ({
      %run_scoped3A = tpu.sem_alloc : memref<!tpu.dma_semaphore, #tpu.memory_space<semaphore_mem>>
      tpu.enqueue_dma source(%arg3 : memref<512xf32, #tpu.memory_space<hbm>>) target(%arg6 : memref<512xf32, #tpu.memory_space<vmem>>) target_semaphore(%run_scoped3A : memref<!tpu.dma_semaphore, #tpu.memory_space<semaphore_mem>>)
      tpu.wait_dma2 semaphore(%run_scoped3A : memref<!tpu.dma_semaphore, #tpu.memory_space<semaphore_mem>>) src(%arg3 : memref<512xf32, #tpu.memory_space<hbm>>) dst(%arg6 : memref<512xf32, #tpu.memory_space<vmem>>)
      tpu.yield
    }) : () -> ()
    %scan3A = arith.constant 0 : i32
    %scan3A_3 = arith.constant 0 : i32
    %scan3A_4 = arith.constant 32 : i32
    %scan3A_5 = arith.addi %scan3A_3, %scan3A_4 : i32
    %scan3A_6 = arith.constant 1 : i32
    scf.for %scan3A_52 = %scan3A_3 to %scan3A_5 step %scan3A_6  : i32 {
      %mul3A_53 = arith.constant 2 : i32
      %mul3A_54 = arith.muli %scan3A_52, %mul3A_53 : i32
      %add3A_55 = arith.addi %mul3A_2, %mul3A_54 : i32
      %add3A_56 = arith.constant 0 : i32
      %add3A_57 = arith.addi %add3A_55, %add3A_56 : i32
      %gt3A = arith.constant 0 : i32
      %gt3A_58 = arith.cmpi sgt, %scan3A_52, %gt3A : i32
      %convert_element_type3A = arith.extui %gt3A_58 : i1 to i32
      %cond3A = arith.constant 0 : i32
      %cond3A_59 = arith.cmpi ne, %convert_element_type3A, %cond3A : i32
      scf.if %cond3A_59 {
        %sub3A_110 = arith.constant 2 : i32
        %sub3A_111 = arith.subi %add3A_57, %sub3A_110 : i32
        %dma_wait3A_112 = arith.constant 0 : i32
        %dma_wait3A_113 = arith.constant 0 : i32
        %dma_wait3A_114 = arith.constant 0 : i32
        %dma_wait3A_115 = tpu.memref_slice %arg7[%dma_wait3A_112, %dma_wait3A_113, %dma_wait3A_114] : memref<2x16x2048xf32, #tpu.memory_space<vmem>> -> memref<1x16x2048xf32, #tpu.memory_space<vmem>>
        %dma_wait3A_116 = tpu.memref_squeeze %dma_wait3A_115 : memref<1x16x2048xf32, #tpu.memory_space<vmem>> -> memref<16x2048xf32, #tpu.memory_space<vmem>>
        %dma_wait3A_117 = arith.constant 0 : i32
        %dma_wait3A_118 = arith.constant 0 : i32
        %dma_wait3A_119 = tpu.memref_slice %arg4[%dma_wait3A_117, %sub3A_111, %dma_wait3A_118] : memref<16x2048x2048xf32, #tpu.memory_space<hbm>> -> memref<16x1x2048xf32, #tpu.memory_space<hbm>>
        %dma_wait3A_120 = tpu.memref_squeeze %dma_wait3A_119 : memref<16x1x2048xf32, #tpu.memory_space<hbm>> -> memref<16x2048xf32, #tpu.memory_space<hbm>>
        %dma_wait3A_121 = arith.constant 0 : i32
        %dma_wait3A_122 = arith.constant 0 : i32
        %dma_wait3A_123 = tpu.memref_slice %arg4[%dma_wait3A_121, %sub3A_111, %dma_wait3A_122] : memref<16x2048x2048xf32, #tpu.memory_space<hbm>> -> memref<16x1x2048xf32, #tpu.memory_space<hbm>>
        %dma_wait3A_124 = tpu.memref_squeeze %dma_wait3A_123 : memref<16x1x2048xf32, #tpu.memory_space<hbm>> -> memref<16x2048xf32, #tpu.memory_space<hbm>>
        %dma_wait3A_125 = arith.constant 0 : i32
        %dma_wait3A_126 = arith.constant 0 : i32
        %dma_wait3A_127 = tpu.memref_slice %arg7[%dma_wait3A_112, %dma_wait3A_125, %dma_wait3A_126] : memref<2x16x2048xf32, #tpu.memory_space<vmem>> -> memref<1x16x2048xf32, #tpu.memory_space<vmem>>
        %dma_wait3A_128 = tpu.memref_squeeze %dma_wait3A_127 : memref<1x16x2048xf32, #tpu.memory_space<vmem>> -> memref<16x2048xf32, #tpu.memory_space<vmem>>
        tpu.wait_dma2 semaphore(%arg8 : memref<!tpu.dma_semaphore, #tpu.memory_space<semaphore_mem>>) src(%dma_wait3A_128 : memref<16x2048xf32, #tpu.memory_space<vmem>>) dst(%dma_wait3A_124 : memref<16x2048xf32, #tpu.memory_space<hbm>>)
      } else {
      }
      %broadcast_in_dim3A = vector.broadcast %add3A_57 : i32 to vector<16xi32>
      %gather3A = tpu.vector_load_idx %arg5[%broadcast_in_dim3A] : memref<2048xi32, #tpu.memory_space<vmem>>[vector<16xi32>], vector<16xi32>,
      %parallel_loop3A = arith.constant 0 : i32
      %parallel_loop3A_60 = arith.constant 128 : i32
      %parallel_loop3A_61 = arith.constant 1 : i32
      scf.for %parallel_loop3A_110 = %parallel_loop3A to %parallel_loop3A_60 step %parallel_loop3A_61  : i32 {
        %parallel_loop3A_111 = arith.constant 16 : i32
        %parallel_loop3A_112 = arith.muli %parallel_loop3A_110, %parallel_loop3A_111 : i32
        %parallel_loop3A_113 = arith.index_cast %parallel_loop3A_112 : i32 to index
        %parallel_loop3A_114 = tpu.vector_load %arg5[%parallel_loop3A_113] {strides = array<i32>} : memref<2048xi32, #tpu.memory_space<vmem>>, vector<16xi32>,
        %parallel_loop3A_115 = arith.subi %gather3A, %parallel_loop3A_114 : vector<16xi32>
        %parallel_loop3A_116 = arith.constant -128 : i32
        %parallel_loop3A_117 = arith.constant 128 : i32
        %parallel_loop3A_118 = vector.broadcast %parallel_loop3A_116 : i32 to vector<16xi32>
        %parallel_loop3A_119 = arith.maxsi %parallel_loop3A_118, %parallel_loop3A_115 : vector<16xi32>
        %parallel_loop3A_120 = vector.broadcast %parallel_loop3A_117 : i32 to vector<16xi32>
        %parallel_loop3A_121 = arith.minsi %parallel_loop3A_120, %parallel_loop3A_119 : vector<16xi32>
        %parallel_loop3A_122 = arith.constant 128 : i32
        %parallel_loop3A_123 = vector.broadcast %parallel_loop3A_122 : i32 to vector<16xi32>
        %parallel_loop3A_124 = arith.addi %parallel_loop3A_121, %parallel_loop3A_123 : vector<16xi32>
        %parallel_loop3A_125 = arith.constant 3 : i32
        %parallel_loop3A_126 = vector.broadcast %parallel_loop3A_125 : i32 to vector<16xi32>
        %parallel_loop3A_127 = arith.shrsi %parallel_loop3A_124, %parallel_loop3A_126 : vector<16xi32>
        %parallel_loop3A_128 = arith.constant 31 : i32
        %parallel_loop3A_129 = vector.broadcast %parallel_loop3A_128 : i32 to vector<16xi32>
        %parallel_loop3A_130 = arith.minsi %parallel_loop3A_127, %parallel_loop3A_129 : vector<16xi32>
        %parallel_loop3A_131 = arith.constant 0 : i32
        %parallel_loop3A_132 = vector.broadcast %parallel_loop3A_131 : i32 to vector<16xi32>
        %parallel_loop3A_133 = arith.addi %parallel_loop3A_130, %parallel_loop3A_132 : vector<16xi32>
        %parallel_loop3A_134 = tpu.vector_load_idx %arg6[%parallel_loop3A_133] : memref<512xf32, #tpu.memory_space<vmem>>[vector<16xi32>], vector<16xf32>,
        %parallel_loop3A_135 = arith.constant 16 : i32
        %parallel_loop3A_136 = arith.muli %parallel_loop3A_110, %parallel_loop3A_135 : i32
        %parallel_loop3A_137 = arith.constant 0 : i32
        %parallel_loop3A_138 = arith.constant 0 : i32
        %parallel_loop3A_139 = arith.index_cast %parallel_loop3A_137 : i32 to index
        %parallel_loop3A_140 = arith.index_cast %parallel_loop3A_138 : i32 to index
        %parallel_loop3A_141 = arith.index_cast %parallel_loop3A_136 : i32 to index
        %parallel_loop3A_142 = tpu.vector_load %arg7[%parallel_loop3A_139, %parallel_loop3A_140, %parallel_loop3A_141] {strides = array<i32>} : memref<2x16x2048xf32, #tpu.memory_space<vmem>>, vector<16xf32>,
        tpu.vector_store %arg7[%parallel_loop3A_139, %parallel_loop3A_140, %parallel_loop3A_141], %parallel_loop3A_134 {strides = array<i32>} : memref<2x16x2048xf32, #tpu.memory_space<vmem>>, vector<16xf32>,
        %parallel_loop3A_143 = arith.constant 32 : i32
        %parallel_loop3A_144 = vector.broadcast %parallel_loop3A_143 : i32 to vector<16xi32>
        %parallel_loop3A_145 = arith.addi %parallel_loop3A_130, %parallel_loop3A_144 : vector<16xi32>
        %parallel_loop3A_146 = tpu.vector_load_idx %arg6[%parallel_loop3A_145] : memref<512xf32, #tpu.memory_space<vmem>>[vector<16xi32>], vector<16xf32>,
        %parallel_loop3A_147 = arith.constant 16 : i32
        %parallel_loop3A_148 = arith.muli %parallel_loop3A_110, %parallel_loop3A_147 : i32
        %parallel_loop3A_149 = arith.constant 0 : i32
        %parallel_loop3A_150 = arith.constant 1 : i32
        %parallel_loop3A_151 = arith.index_cast %parallel_loop3A_149 : i32 to index
        %parallel_loop3A_152 = arith.index_cast %parallel_loop3A_150 : i32 to index
        %parallel_loop3A_153 = arith.index_cast %parallel_loop3A_148 : i32 to index
        %parallel_loop3A_154 = tpu.vector_load %arg7[%parallel_loop3A_151, %parallel_loop3A_152, %parallel_loop3A_153] {strides = array<i32>} : memref<2x16x2048xf32, #tpu.memory_space<vmem>>, vector<16xf32>,
        tpu.vector_store %arg7[%parallel_loop3A_151, %parallel_loop3A_152, %parallel_loop3A_153], %parallel_loop3A_146 {strides = array<i32>} : memref<2x16x2048xf32, #tpu.memory_space<vmem>>, vector<16xf32>,
        %parallel_loop3A_155 = arith.constant 64 : i32
        %parallel_loop3A_156 = vector.broadcast %parallel_loop3A_155 : i32 to vector<16xi32>
        %parallel_loop3A_157 = arith.addi %parallel_loop3A_130, %parallel_loop3A_156 : vector<16xi32>
        %parallel_loop3A_158 = tpu.vector_load_idx %arg6[%parallel_loop3A_157] : memref<512xf32, #tpu.memory_space<vmem>>[vector<16xi32>], vector<16xf32>,
        %parallel_loop3A_159 = arith.constant 16 : i32
        %parallel_loop3A_160 = arith.muli %parallel_loop3A_110, %parallel_loop3A_159 : i32
        %parallel_loop3A_161 = arith.constant 0 : i32
        %parallel_loop3A_162 = arith.constant 2 : i32
        %parallel_loop3A_163 = arith.index_cast %parallel_loop3A_161 : i32 to index
        %parallel_loop3A_164 = arith.index_cast %parallel_loop3A_162 : i32 to index
        %parallel_loop3A_165 = arith.index_cast %parallel_loop3A_160 : i32 to index
        %parallel_loop3A_166 = tpu.vector_load %arg7[%parallel_loop3A_163, %parallel_loop3A_164, %parallel_loop3A_165] {strides = array<i32>} : memref<2x16x2048xf32, #tpu.memory_space<vmem>>, vector<16xf32>,
        tpu.vector_store %arg7[%parallel_loop3A_163, %parallel_loop3A_164, %parallel_loop3A_165], %parallel_loop3A_158 {strides = array<i32>} : memref<2x16x2048xf32, #tpu.memory_space<vmem>>, vector<16xf32>,
        %parallel_loop3A_167 = arith.constant 96 : i32
        %parallel_loop3A_168 = vector.broadcast %parallel_loop3A_167 : i32 to vector<16xi32>
        %parallel_loop3A_169 = arith.addi %parallel_loop3A_130, %parallel_loop3A_168 : vector<16xi32>
        %parallel_loop3A_170 = tpu.vector_load_idx %arg6[%parallel_loop3A_169] : memref<512xf32, #tpu.memory_space<vmem>>[vector<16xi32>], vector<16xf32>,
        %parallel_loop3A_171 = arith.constant 16 : i32
        %parallel_loop3A_172 = arith.muli %parallel_loop3A_110, %parallel_loop3A_171 : i32
        %parallel_loop3A_173 = arith.constant 0 : i32
        %parallel_loop3A_174 = arith.constant 3 : i32
        %parallel_loop3A_175 = arith.index_cast %parallel_loop3A_173 : i32 to index
        %parallel_loop3A_176 = arith.index_cast %parallel_loop3A_174 : i32 to index
        %parallel_loop3A_177 = arith.index_cast %parallel_loop3A_172 : i32 to index
        %parallel_loop3A_178 = tpu.vector_load %arg7[%parallel_loop3A_175, %parallel_loop3A_176, %parallel_loop3A_177] {strides = array<i32>} : memref<2x16x2048xf32, #tpu.memory_space<vmem>>, vector<16xf32>,
        tpu.vector_store %arg7[%parallel_loop3A_175, %parallel_loop3A_176, %parallel_loop3A_177], %parallel_loop3A_170 {strides = array<i32>} : memref<2x16x2048xf32, #tpu.memory_space<vmem>>, vector<16xf32>,
        %parallel_loop3A_179 = arith.constant 128 : i32
        %parallel_loop3A_180 = vector.broadcast %parallel_loop3A_179 : i32 to vector<16xi32>
        %parallel_loop3A_181 = arith.addi %parallel_loop3A_130, %parallel_loop3A_180 : vector<16xi32>
        %parallel_loop3A_182 = tpu.vector_load_idx %arg6[%parallel_loop3A_181] : memref<512xf32, #tpu.memory_space<vmem>>[vector<16xi32>], vector<16xf32>,
        %parallel_loop3A_183 = arith.constant 16 : i32
        %parallel_loop3A_184 = arith.muli %parallel_loop3A_110, %parallel_loop3A_183 : i32
        %parallel_loop3A_185 = arith.constant 0 : i32
        %parallel_loop3A_186 = arith.constant 4 : i32
        %parallel_loop3A_187 = arith.index_cast %parallel_loop3A_185 : i32 to index
        %parallel_loop3A_188 = arith.index_cast %parallel_loop3A_186 : i32 to index
        %parallel_loop3A_189 = arith.index_cast %parallel_loop3A_184 : i32 to index
        %parallel_loop3A_190 = tpu.vector_load %arg7[%parallel_loop3A_187, %parallel_loop3A_188, %parallel_loop3A_189] {strides = array<i32>} : memref<2x16x2048xf32, #tpu.memory_space<vmem>>, vector<16xf32>,
        tpu.vector_store %arg7[%parallel_loop3A_187, %parallel_loop3A_188, %parallel_loop3A_189], %parallel_loop3A_182 {strides = array<i32>} : memref<2x16x2048xf32, #tpu.memory_space<vmem>>, vector<16xf32>,
        %parallel_loop3A_191 = arith.constant 160 : i32
        %parallel_loop3A_192 = vector.broadcast %parallel_loop3A_191 : i32 to vector<16xi32>
        %parallel_loop3A_193 = arith.addi %parallel_loop3A_130, %parallel_loop3A_192 : vector<16xi32>
        %parallel_loop3A_194 = tpu.vector_load_idx %arg6[%parallel_loop3A_193] : memref<512xf32, #tpu.memory_space<vmem>>[vector<16xi32>], vector<16xf32>,
        %parallel_loop3A_195 = arith.constant 16 : i32
        %parallel_loop3A_196 = arith.muli %parallel_loop3A_110, %parallel_loop3A_195 : i32
        %parallel_loop3A_197 = arith.constant 0 : i32
        %parallel_loop3A_198 = arith.constant 5 : i32
        %parallel_loop3A_199 = arith.index_cast %parallel_loop3A_197 : i32 to index
        %parallel_loop3A_200 = arith.index_cast %parallel_loop3A_198 : i32 to index
        %parallel_loop3A_201 = arith.index_cast %parallel_loop3A_196 : i32 to index
        %parallel_loop3A_202 = tpu.vector_load %arg7[%parallel_loop3A_199, %parallel_loop3A_200, %parallel_loop3A_201] {strides = array<i32>} : memref<2x16x2048xf32, #tpu.memory_space<vmem>>, vector<16xf32>,
        tpu.vector_store %arg7[%parallel_loop3A_199, %parallel_loop3A_200, %parallel_loop3A_201], %parallel_loop3A_194 {strides = array<i32>} : memref<2x16x2048xf32, #tpu.memory_space<vmem>>, vector<16xf32>,
        %parallel_loop3A_203 = arith.constant 192 : i32
        %parallel_loop3A_204 = vector.broadcast %parallel_loop3A_203 : i32 to vector<16xi32>
        %parallel_loop3A_205 = arith.addi %parallel_loop3A_130, %parallel_loop3A_204 : vector<16xi32>
        %parallel_loop3A_206 = tpu.vector_load_idx %arg6[%parallel_loop3A_205] : memref<512xf32, #tpu.memory_space<vmem>>[vector<16xi32>], vector<16xf32>,
        %parallel_loop3A_207 = arith.constant 16 : i32
        %parallel_loop3A_208 = arith.muli %parallel_loop3A_110, %parallel_loop3A_207 : i32
        %parallel_loop3A_209 = arith.constant 0 : i32
        %parallel_loop3A_210 = arith.constant 6 : i32
        %parallel_loop3A_211 = arith.index_cast %parallel_loop3A_209 : i32 to index
        %parallel_loop3A_212 = arith.index_cast %parallel_loop3A_210 : i32 to index
        %parallel_loop3A_213 = arith.index_cast %parallel_loop3A_208 : i32 to index
        %parallel_loop3A_214 = tpu.vector_load %arg7[%parallel_loop3A_211, %parallel_loop3A_212, %parallel_loop3A_213] {strides = array<i32>} : memref<2x16x2048xf32, #tpu.memory_space<vmem>>, vector<16xf32>,
        tpu.vector_store %arg7[%parallel_loop3A_211, %parallel_loop3A_212, %parallel_loop3A_213], %parallel_loop3A_206 {strides = array<i32>} : memref<2x16x2048xf32, #tpu.memory_space<vmem>>, vector<16xf32>,
        %parallel_loop3A_215 = arith.constant 224 : i32
        %parallel_loop3A_216 = vector.broadcast %parallel_loop3A_215 : i32 to vector<16xi32>
        %parallel_loop3A_217 = arith.addi %parallel_loop3A_130, %parallel_loop3A_216 : vector<16xi32>
        %parallel_loop3A_218 = tpu.vector_load_idx %arg6[%parallel_loop3A_217] : memref<512xf32, #tpu.memory_space<vmem>>[vector<16xi32>], vector<16xf32>,
        %parallel_loop3A_219 = arith.constant 16 : i32
        %parallel_loop3A_220 = arith.muli %parallel_loop3A_110, %parallel_loop3A_219 : i32
        %parallel_loop3A_221 = arith.constant 0 : i32
        %parallel_loop3A_222 = arith.constant 7 : i32
        %parallel_loop3A_223 = arith.index_cast %parallel_loop3A_221 : i32 to index
        %parallel_loop3A_224 = arith.index_cast %parallel_loop3A_222 : i32 to index
        %parallel_loop3A_225 = arith.index_cast %parallel_loop3A_220 : i32 to index
        %parallel_loop3A_226 = tpu.vector_load %arg7[%parallel_loop3A_223, %parallel_loop3A_224, %parallel_loop3A_225] {strides = array<i32>} : memref<2x16x2048xf32, #tpu.memory_space<vmem>>, vector<16xf32>,
        tpu.vector_store %arg7[%parallel_loop3A_223, %parallel_loop3A_224, %parallel_loop3A_225], %parallel_loop3A_218 {strides = array<i32>} : memref<2x16x2048xf32, #tpu.memory_space<vmem>>, vector<16xf32>,
        %parallel_loop3A_227 = arith.constant 256 : i32
        %parallel_loop3A_228 = vector.broadcast %parallel_loop3A_227 : i32 to vector<16xi32>
        %parallel_loop3A_229 = arith.addi %parallel_loop3A_130, %parallel_loop3A_228 : vector<16xi32>
        %parallel_loop3A_230 = tpu.vector_load_idx %arg6[%parallel_loop3A_229] : memref<512xf32, #tpu.memory_space<vmem>>[vector<16xi32>], vector<16xf32>,
        %parallel_loop3A_231 = arith.constant 16 : i32
        %parallel_loop3A_232 = arith.muli %parallel_loop3A_110, %parallel_loop3A_231 : i32
        %parallel_loop3A_233 = arith.constant 0 : i32
        %parallel_loop3A_234 = arith.constant 8 : i32
        %parallel_loop3A_235 = arith.index_cast %parallel_loop3A_233 : i32 to index
        %parallel_loop3A_236 = arith.index_cast %parallel_loop3A_234 : i32 to index
        %parallel_loop3A_237 = arith.index_cast %parallel_loop3A_232 : i32 to index
        %parallel_loop3A_238 = tpu.vector_load %arg7[%parallel_loop3A_235, %parallel_loop3A_236, %parallel_loop3A_237] {strides = array<i32>} : memref<2x16x2048xf32, #tpu.memory_space<vmem>>, vector<16xf32>,
        tpu.vector_store %arg7[%parallel_loop3A_235, %parallel_loop3A_236, %parallel_loop3A_237], %parallel_loop3A_230 {strides = array<i32>} : memref<2x16x2048xf32, #tpu.memory_space<vmem>>, vector<16xf32>,
        %parallel_loop3A_239 = arith.constant 288 : i32
        %parallel_loop3A_240 = vector.broadcast %parallel_loop3A_239 : i32 to vector<16xi32>
        %parallel_loop3A_241 = arith.addi %parallel_loop3A_130, %parallel_loop3A_240 : vector<16xi32>
        %parallel_loop3A_242 = tpu.vector_load_idx %arg6[%parallel_loop3A_241] : memref<512xf32, #tpu.memory_space<vmem>>[vector<16xi32>], vector<16xf32>,
        %parallel_loop3A_243 = arith.constant 16 : i32
        %parallel_loop3A_244 = arith.muli %parallel_loop3A_110, %parallel_loop3A_243 : i32
        %parallel_loop3A_245 = arith.constant 0 : i32
        %parallel_loop3A_246 = arith.constant 9 : i32
        %parallel_loop3A_247 = arith.index_cast %parallel_loop3A_245 : i32 to index
        %parallel_loop3A_248 = arith.index_cast %parallel_loop3A_246 : i32 to index
        %parallel_loop3A_249 = arith.index_cast %parallel_loop3A_244 : i32 to index
        %parallel_loop3A_250 = tpu.vector_load %arg7[%parallel_loop3A_247, %parallel_loop3A_248, %parallel_loop3A_249] {strides = array<i32>} : memref<2x16x2048xf32, #tpu.memory_space<vmem>>, vector<16xf32>,
        tpu.vector_store %arg7[%parallel_loop3A_247, %parallel_loop3A_248, %parallel_loop3A_249], %parallel_loop3A_242 {strides = array<i32>} : memref<2x16x2048xf32, #tpu.memory_space<vmem>>, vector<16xf32>,
        %parallel_loop3A_251 = arith.constant 320 : i32
        %parallel_loop3A_252 = vector.broadcast %parallel_loop3A_251 : i32 to vector<16xi32>
        %parallel_loop3A_253 = arith.addi %parallel_loop3A_130, %parallel_loop3A_252 : vector<16xi32>
        %parallel_loop3A_254 = tpu.vector_load_idx %arg6[%parallel_loop3A_253] : memref<512xf32, #tpu.memory_space<vmem>>[vector<16xi32>], vector<16xf32>,
        %parallel_loop3A_255 = arith.constant 16 : i32
        %parallel_loop3A_256 = arith.muli %parallel_loop3A_110, %parallel_loop3A_255 : i32
        %parallel_loop3A_257 = arith.constant 0 : i32
        %parallel_loop3A_258 = arith.constant 10 : i32
        %parallel_loop3A_259 = arith.index_cast %parallel_loop3A_257 : i32 to index
        %parallel_loop3A_260 = arith.index_cast %parallel_loop3A_258 : i32 to index
        %parallel_loop3A_261 = arith.index_cast %parallel_loop3A_256 : i32 to index
        %parallel_loop3A_262 = tpu.vector_load %arg7[%parallel_loop3A_259, %parallel_loop3A_260, %parallel_loop3A_261] {strides = array<i32>} : memref<2x16x2048xf32, #tpu.memory_space<vmem>>, vector<16xf32>,
        tpu.vector_store %arg7[%parallel_loop3A_259, %parallel_loop3A_260, %parallel_loop3A_261], %parallel_loop3A_254 {strides = array<i32>} : memref<2x16x2048xf32, #tpu.memory_space<vmem>>, vector<16xf32>,
        %parallel_loop3A_263 = arith.constant 352 : i32
        %parallel_loop3A_264 = vector.broadcast %parallel_loop3A_263 : i32 to vector<16xi32>
        %parallel_loop3A_265 = arith.addi %parallel_loop3A_130, %parallel_loop3A_264 : vector<16xi32>
        %parallel_loop3A_266 = tpu.vector_load_idx %arg6[%parallel_loop3A_265] : memref<512xf32, #tpu.memory_space<vmem>>[vector<16xi32>], vector<16xf32>,
        %parallel_loop3A_267 = arith.constant 16 : i32
        %parallel_loop3A_268 = arith.muli %parallel_loop3A_110, %parallel_loop3A_267 : i32
        %parallel_loop3A_269 = arith.constant 0 : i32
        %parallel_loop3A_270 = arith.constant 11 : i32
        %parallel_loop3A_271 = arith.index_cast %parallel_loop3A_269 : i32 to index
        %parallel_loop3A_272 = arith.index_cast %parallel_loop3A_270 : i32 to index
        %parallel_loop3A_273 = arith.index_cast %parallel_loop3A_268 : i32 to index
        %parallel_loop3A_274 = tpu.vector_load %arg7[%parallel_loop3A_271, %parallel_loop3A_272, %parallel_loop3A_273] {strides = array<i32>} : memref<2x16x2048xf32, #tpu.memory_space<vmem>>, vector<16xf32>,
        tpu.vector_store %arg7[%parallel_loop3A_271, %parallel_loop3A_272, %parallel_loop3A_273], %parallel_loop3A_266 {strides = array<i32>} : memref<2x16x2048xf32, #tpu.memory_space<vmem>>, vector<16xf32>,
        %parallel_loop3A_275 = arith.constant 384 : i32
        %parallel_loop3A_276 = vector.broadcast %parallel_loop3A_275 : i32 to vector<16xi32>
        %parallel_loop3A_277 = arith.addi %parallel_loop3A_130, %parallel_loop3A_276 : vector<16xi32>
        %parallel_loop3A_278 = tpu.vector_load_idx %arg6[%parallel_loop3A_277] : memref<512xf32, #tpu.memory_space<vmem>>[vector<16xi32>], vector<16xf32>,
        %parallel_loop3A_279 = arith.constant 16 : i32
        %parallel_loop3A_280 = arith.muli %parallel_loop3A_110, %parallel_loop3A_279 : i32
        %parallel_loop3A_281 = arith.constant 0 : i32
        %parallel_loop3A_282 = arith.constant 12 : i32
        %parallel_loop3A_283 = arith.index_cast %parallel_loop3A_281 : i32 to index
        %parallel_loop3A_284 = arith.index_cast %parallel_loop3A_282 : i32 to index
        %parallel_loop3A_285 = arith.index_cast %parallel_loop3A_280 : i32 to index
        %parallel_loop3A_286 = tpu.vector_load %arg7[%parallel_loop3A_283, %parallel_loop3A_284, %parallel_loop3A_285] {strides = array<i32>} : memref<2x16x2048xf32, #tpu.memory_space<vmem>>, vector<16xf32>,
        tpu.vector_store %arg7[%parallel_loop3A_283, %parallel_loop3A_284, %parallel_loop3A_285], %parallel_loop3A_278 {strides = array<i32>} : memref<2x16x2048xf32, #tpu.memory_space<vmem>>, vector<16xf32>,
        %parallel_loop3A_287 = arith.constant 416 : i32
        %parallel_loop3A_288 = vector.broadcast %parallel_loop3A_287 : i32 to vector<16xi32>
        %parallel_loop3A_289 = arith.addi %parallel_loop3A_130, %parallel_loop3A_288 : vector<16xi32>
        %parallel_loop3A_290 = tpu.vector_load_idx %arg6[%parallel_loop3A_289] : memref<512xf32, #tpu.memory_space<vmem>>[vector<16xi32>], vector<16xf32>,
        %parallel_loop3A_291 = arith.constant 16 : i32
        %parallel_loop3A_292 = arith.muli %parallel_loop3A_110, %parallel_loop3A_291 : i32
        %parallel_loop3A_293 = arith.constant 0 : i32
        %parallel_loop3A_294 = arith.constant 13 : i32
        %parallel_loop3A_295 = arith.index_cast %parallel_loop3A_293 : i32 to index
        %parallel_loop3A_296 = arith.index_cast %parallel_loop3A_294 : i32 to index
        %parallel_loop3A_297 = arith.index_cast %parallel_loop3A_292 : i32 to index
        %parallel_loop3A_298 = tpu.vector_load %arg7[%parallel_loop3A_295, %parallel_loop3A_296, %parallel_loop3A_297] {strides = array<i32>} : memref<2x16x2048xf32, #tpu.memory_space<vmem>>, vector<16xf32>,
        tpu.vector_store %arg7[%parallel_loop3A_295, %parallel_loop3A_296, %parallel_loop3A_297], %parallel_loop3A_290 {strides = array<i32>} : memref<2x16x2048xf32, #tpu.memory_space<vmem>>, vector<16xf32>,
        %parallel_loop3A_299 = arith.constant 448 : i32
        %parallel_loop3A_300 = vector.broadcast %parallel_loop3A_299 : i32 to vector<16xi32>
        %parallel_loop3A_301 = arith.addi %parallel_loop3A_130, %parallel_loop3A_300 : vector<16xi32>
        %parallel_loop3A_302 = tpu.vector_load_idx %arg6[%parallel_loop3A_301] : memref<512xf32, #tpu.memory_space<vmem>>[vector<16xi32>], vector<16xf32>,
        %parallel_loop3A_303 = arith.constant 16 : i32
        %parallel_loop3A_304 = arith.muli %parallel_loop3A_110, %parallel_loop3A_303 : i32
        %parallel_loop3A_305 = arith.constant 0 : i32
        %parallel_loop3A_306 = arith.constant 14 : i32
        %parallel_loop3A_307 = arith.index_cast %parallel_loop3A_305 : i32 to index
        %parallel_loop3A_308 = arith.index_cast %parallel_loop3A_306 : i32 to index
        %parallel_loop3A_309 = arith.index_cast %parallel_loop3A_304 : i32 to index
        %parallel_loop3A_310 = tpu.vector_load %arg7[%parallel_loop3A_307, %parallel_loop3A_308, %parallel_loop3A_309] {strides = array<i32>} : memref<2x16x2048xf32, #tpu.memory_space<vmem>>, vector<16xf32>,
        tpu.vector_store %arg7[%parallel_loop3A_307, %parallel_loop3A_308, %parallel_loop3A_309], %parallel_loop3A_302 {strides = array<i32>} : memref<2x16x2048xf32, #tpu.memory_space<vmem>>, vector<16xf32>,
        %parallel_loop3A_311 = arith.constant 480 : i32
        %parallel_loop3A_312 = vector.broadcast %parallel_loop3A_311 : i32 to vector<16xi32>
        %parallel_loop3A_313 = arith.addi %parallel_loop3A_130, %parallel_loop3A_312 : vector<16xi32>
        %parallel_loop3A_314 = tpu.vector_load_idx %arg6[%parallel_loop3A_313] : memref<512xf32, #tpu.memory_space<vmem>>[vector<16xi32>], vector<16xf32>,
        %parallel_loop3A_315 = arith.constant 16 : i32
        %parallel_loop3A_316 = arith.muli %parallel_loop3A_110, %parallel_loop3A_315 : i32
        %parallel_loop3A_317 = arith.constant 0 : i32
        %parallel_loop3A_318 = arith.constant 15 : i32
        %parallel_loop3A_319 = arith.index_cast %parallel_loop3A_317 : i32 to index
        %parallel_loop3A_320 = arith.index_cast %parallel_loop3A_318 : i32 to index
        %parallel_loop3A_321 = arith.index_cast %parallel_loop3A_316 : i32 to index
        %parallel_loop3A_322 = tpu.vector_load %arg7[%parallel_loop3A_319, %parallel_loop3A_320, %parallel_loop3A_321] {strides = array<i32>} : memref<2x16x2048xf32, #tpu.memory_space<vmem>>, vector<16xf32>,
        tpu.vector_store %arg7[%parallel_loop3A_319, %parallel_loop3A_320, %parallel_loop3A_321], %parallel_loop3A_314 {strides = array<i32>} : memref<2x16x2048xf32, #tpu.memory_space<vmem>>, vector<16xf32>,
      } {sc.loop_unroll_factor = 8 : i64, sc.parallel_access}
      %dma_start3A = arith.constant 0 : i32
      %dma_start3A_62 = arith.constant 0 : i32
      %dma_start3A_63 = arith.constant 0 : i32
      %dma_start3A_64 = tpu.memref_slice %arg7[%dma_start3A, %dma_start3A_62, %dma_start3A_63] : memref<2x16x2048xf32, #tpu.memory_space<vmem>> -> memref<1x16x2048xf32, #tpu.memory_space<vmem>>
      %dma_start3A_65 = tpu.memref_squeeze %dma_start3A_64 : memref<1x16x2048xf32, #tpu.memory_space<vmem>> -> memref<16x2048xf32, #tpu.memory_space<vmem>>
      %dma_start3A_66 = arith.constant 0 : i32
      %dma_start3A_67 = arith.constant 0 : i32
      %dma_start3A_68 = tpu.memref_slice %arg4[%dma_start3A_66, %add3A_57, %dma_start3A_67] : memref<16x2048x2048xf32, #tpu.memory_space<hbm>> -> memref<16x1x2048xf32, #tpu.memory_space<hbm>>
      %dma_start3A_69 = tpu.memref_squeeze %dma_start3A_68 : memref<16x1x2048xf32, #tpu.memory_space<hbm>> -> memref<16x2048xf32, #tpu.memory_space<hbm>>
      %dma_start3A_70 = arith.constant 0 : i32
      %dma_start3A_71 = arith.constant 0 : i32
      %dma_start3A_72 = tpu.memref_slice %arg4[%dma_start3A_70, %add3A_57, %dma_start3A_71] : memref<16x2048x2048xf32, #tpu.memory_space<hbm>> -> memref<16x1x2048xf32, #tpu.memory_space<hbm>>
      %dma_start3A_73 = tpu.memref_squeeze %dma_start3A_72 : memref<16x1x2048xf32, #tpu.memory_space<hbm>> -> memref<16x2048xf32, #tpu.memory_space<hbm>>
      %dma_start3A_74 = arith.constant 0 : i32
      %dma_start3A_75 = arith.constant 0 : i32
      %dma_start3A_76 = tpu.memref_slice %arg7[%dma_start3A, %dma_start3A_74, %dma_start3A_75] : memref<2x16x2048xf32, #tpu.memory_space<vmem>> -> memref<1x16x2048xf32, #tpu.memory_space<vmem>>
      %dma_start3A_77 = tpu.memref_squeeze %dma_start3A_76 : memref<1x16x2048xf32, #tpu.memory_space<vmem>> -> memref<16x2048xf32, #tpu.memory_space<vmem>>
      tpu.enqueue_dma source(%dma_start3A_77 : memref<16x2048xf32, #tpu.memory_space<vmem>>) target(%dma_start3A_73 : memref<16x2048xf32, #tpu.memory_space<hbm>>) target_semaphore(%arg8 : memref<!tpu.dma_semaphore, #tpu.memory_space<semaphore_mem>>)
      %mul3A_78 = arith.constant 2 : i32
      %mul3A_79 = arith.muli %scan3A_52, %mul3A_78 : i32
      %add3A_80 = arith.addi %mul3A_2, %mul3A_79 : i32
      %add3A_81 = arith.constant 1 : i32
      %add3A_82 = arith.addi %add3A_80, %add3A_81 : i32
      %gt3A_83 = arith.constant 0 : i32
      %gt3A_84 = arith.cmpi sgt, %scan3A_52, %gt3A_83 : i32
      %convert_element_type3A_85 = arith.extui %gt3A_84 : i1 to i32
      %cond3A_86 = arith.constant 0 : i32
      %cond3A_87 = arith.cmpi ne, %convert_element_type3A_85, %cond3A_86 : i32
      scf.if %cond3A_87 {
        %sub3A_110 = arith.constant 2 : i32
        %sub3A_111 = arith.subi %add3A_82, %sub3A_110 : i32
        %dma_wait3A_112 = arith.constant 1 : i32
        %dma_wait3A_113 = arith.constant 0 : i32
        %dma_wait3A_114 = arith.constant 0 : i32
        %dma_wait3A_115 = tpu.memref_slice %arg7[%dma_wait3A_112, %dma_wait3A_113, %dma_wait3A_114] : memref<2x16x2048xf32, #tpu.memory_space<vmem>> -> memref<1x16x2048xf32, #tpu.memory_space<vmem>>
        %dma_wait3A_116 = tpu.memref_squeeze %dma_wait3A_115 : memref<1x16x2048xf32, #tpu.memory_space<vmem>> -> memref<16x2048xf32, #tpu.memory_space<vmem>>
        %dma_wait3A_117 = arith.constant 0 : i32
        %dma_wait3A_118 = arith.constant 0 : i32
        %dma_wait3A_119 = tpu.memref_slice %arg4[%dma_wait3A_117, %sub3A_111, %dma_wait3A_118] : memref<16x2048x2048xf32, #tpu.memory_space<hbm>> -> memref<16x1x2048xf32, #tpu.memory_space<hbm>>
        %dma_wait3A_120 = tpu.memref_squeeze %dma_wait3A_119 : memref<16x1x2048xf32, #tpu.memory_space<hbm>> -> memref<16x2048xf32, #tpu.memory_space<hbm>>
        %dma_wait3A_121 = arith.constant 0 : i32
        %dma_wait3A_122 = arith.constant 0 : i32
        %dma_wait3A_123 = tpu.memref_slice %arg4[%dma_wait3A_121, %sub3A_111, %dma_wait3A_122] : memref<16x2048x2048xf32, #tpu.memory_space<hbm>> -> memref<16x1x2048xf32, #tpu.memory_space<hbm>>
        %dma_wait3A_124 = tpu.memref_squeeze %dma_wait3A_123 : memref<16x1x2048xf32, #tpu.memory_space<hbm>> -> memref<16x2048xf32, #tpu.memory_space<hbm>>
        %dma_wait3A_125 = arith.constant 0 : i32
        %dma_wait3A_126 = arith.constant 0 : i32
        %dma_wait3A_127 = tpu.memref_slice %arg7[%dma_wait3A_112, %dma_wait3A_125, %dma_wait3A_126] : memref<2x16x2048xf32, #tpu.memory_space<vmem>> -> memref<1x16x2048xf32, #tpu.memory_space<vmem>>
        %dma_wait3A_128 = tpu.memref_squeeze %dma_wait3A_127 : memref<1x16x2048xf32, #tpu.memory_space<vmem>> -> memref<16x2048xf32, #tpu.memory_space<vmem>>
        tpu.wait_dma2 semaphore(%arg9 : memref<!tpu.dma_semaphore, #tpu.memory_space<semaphore_mem>>) src(%dma_wait3A_128 : memref<16x2048xf32, #tpu.memory_space<vmem>>) dst(%dma_wait3A_124 : memref<16x2048xf32, #tpu.memory_space<hbm>>)
      } else {
      }
      %broadcast_in_dim3A_88 = vector.broadcast %add3A_82 : i32 to vector<16xi32>
      %gather3A_89 = tpu.vector_load_idx %arg5[%broadcast_in_dim3A_88] : memref<2048xi32, #tpu.memory_space<vmem>>[vector<16xi32>], vector<16xi32>,
      %parallel_loop3A_90 = arith.constant 0 : i32
      %parallel_loop3A_91 = arith.constant 128 : i32
      %parallel_loop3A_92 = arith.constant 1 : i32
      scf.for %parallel_loop3A_110 = %parallel_loop3A_90 to %parallel_loop3A_91 step %parallel_loop3A_92  : i32 {
        %parallel_loop3A_111 = arith.constant 16 : i32
        %parallel_loop3A_112 = arith.muli %parallel_loop3A_110, %parallel_loop3A_111 : i32
        %parallel_loop3A_113 = arith.index_cast %parallel_loop3A_112 : i32 to index
        %parallel_loop3A_114 = tpu.vector_load %arg5[%parallel_loop3A_113] {strides = array<i32>} : memref<2048xi32, #tpu.memory_space<vmem>>, vector<16xi32>,
        %parallel_loop3A_115 = arith.subi %gather3A_89, %parallel_loop3A_114 : vector<16xi32>
        %parallel_loop3A_116 = arith.constant -128 : i32
        %parallel_loop3A_117 = arith.constant 128 : i32
        %parallel_loop3A_118 = vector.broadcast %parallel_loop3A_116 : i32 to vector<16xi32>
        %parallel_loop3A_119 = arith.maxsi %parallel_loop3A_118, %parallel_loop3A_115 : vector<16xi32>
        %parallel_loop3A_120 = vector.broadcast %parallel_loop3A_117 : i32 to vector<16xi32>
        %parallel_loop3A_121 = arith.minsi %parallel_loop3A_120, %parallel_loop3A_119 : vector<16xi32>
        %parallel_loop3A_122 = arith.constant 128 : i32
        %parallel_loop3A_123 = vector.broadcast %parallel_loop3A_122 : i32 to vector<16xi32>
        %parallel_loop3A_124 = arith.addi %parallel_loop3A_121, %parallel_loop3A_123 : vector<16xi32>
        %parallel_loop3A_125 = arith.constant 3 : i32
        %parallel_loop3A_126 = vector.broadcast %parallel_loop3A_125 : i32 to vector<16xi32>
        %parallel_loop3A_127 = arith.shrsi %parallel_loop3A_124, %parallel_loop3A_126 : vector<16xi32>
        %parallel_loop3A_128 = arith.constant 31 : i32
        %parallel_loop3A_129 = vector.broadcast %parallel_loop3A_128 : i32 to vector<16xi32>
        %parallel_loop3A_130 = arith.minsi %parallel_loop3A_127, %parallel_loop3A_129 : vector<16xi32>
        %parallel_loop3A_131 = arith.constant 0 : i32
        %parallel_loop3A_132 = vector.broadcast %parallel_loop3A_131 : i32 to vector<16xi32>
        %parallel_loop3A_133 = arith.addi %parallel_loop3A_130, %parallel_loop3A_132 : vector<16xi32>
        %parallel_loop3A_134 = tpu.vector_load_idx %arg6[%parallel_loop3A_133] : memref<512xf32, #tpu.memory_space<vmem>>[vector<16xi32>], vector<16xf32>,
        %parallel_loop3A_135 = arith.constant 16 : i32
        %parallel_loop3A_136 = arith.muli %parallel_loop3A_110, %parallel_loop3A_135 : i32
        %parallel_loop3A_137 = arith.constant 1 : i32
        %parallel_loop3A_138 = arith.constant 0 : i32
        %parallel_loop3A_139 = arith.index_cast %parallel_loop3A_137 : i32 to index
        %parallel_loop3A_140 = arith.index_cast %parallel_loop3A_138 : i32 to index
        %parallel_loop3A_141 = arith.index_cast %parallel_loop3A_136 : i32 to index
        %parallel_loop3A_142 = tpu.vector_load %arg7[%parallel_loop3A_139, %parallel_loop3A_140, %parallel_loop3A_141] {strides = array<i32>} : memref<2x16x2048xf32, #tpu.memory_space<vmem>>, vector<16xf32>,
        tpu.vector_store %arg7[%parallel_loop3A_139, %parallel_loop3A_140, %parallel_loop3A_141], %parallel_loop3A_134 {strides = array<i32>} : memref<2x16x2048xf32, #tpu.memory_space<vmem>>, vector<16xf32>,
        %parallel_loop3A_143 = arith.constant 32 : i32
        %parallel_loop3A_144 = vector.broadcast %parallel_loop3A_143 : i32 to vector<16xi32>
        %parallel_loop3A_145 = arith.addi %parallel_loop3A_130, %parallel_loop3A_144 : vector<16xi32>
        %parallel_loop3A_146 = tpu.vector_load_idx %arg6[%parallel_loop3A_145] : memref<512xf32, #tpu.memory_space<vmem>>[vector<16xi32>], vector<16xf32>,
        %parallel_loop3A_147 = arith.constant 16 : i32
        %parallel_loop3A_148 = arith.muli %parallel_loop3A_110, %parallel_loop3A_147 : i32
        %parallel_loop3A_149 = arith.constant 1 : i32
        %parallel_loop3A_150 = arith.constant 1 : i32
        %parallel_loop3A_151 = arith.index_cast %parallel_loop3A_149 : i32 to index
        %parallel_loop3A_152 = arith.index_cast %parallel_loop3A_150 : i32 to index
        %parallel_loop3A_153 = arith.index_cast %parallel_loop3A_148 : i32 to index
        %parallel_loop3A_154 = tpu.vector_load %arg7[%parallel_loop3A_151, %parallel_loop3A_152, %parallel_loop3A_153] {strides = array<i32>} : memref<2x16x2048xf32, #tpu.memory_space<vmem>>, vector<16xf32>,
        tpu.vector_store %arg7[%parallel_loop3A_151, %parallel_loop3A_152, %parallel_loop3A_153], %parallel_loop3A_146 {strides = array<i32>} : memref<2x16x2048xf32, #tpu.memory_space<vmem>>, vector<16xf32>,
        %parallel_loop3A_155 = arith.constant 64 : i32
        %parallel_loop3A_156 = vector.broadcast %parallel_loop3A_155 : i32 to vector<16xi32>
        %parallel_loop3A_157 = arith.addi %parallel_loop3A_130, %parallel_loop3A_156 : vector<16xi32>
        %parallel_loop3A_158 = tpu.vector_load_idx %arg6[%parallel_loop3A_157] : memref<512xf32, #tpu.memory_space<vmem>>[vector<16xi32>], vector<16xf32>,
        %parallel_loop3A_159 = arith.constant 16 : i32
        %parallel_loop3A_160 = arith.muli %parallel_loop3A_110, %parallel_loop3A_159 : i32
        %parallel_loop3A_161 = arith.constant 1 : i32
        %parallel_loop3A_162 = arith.constant 2 : i32
        %parallel_loop3A_163 = arith.index_cast %parallel_loop3A_161 : i32 to index
        %parallel_loop3A_164 = arith.index_cast %parallel_loop3A_162 : i32 to index
        %parallel_loop3A_165 = arith.index_cast %parallel_loop3A_160 : i32 to index
        %parallel_loop3A_166 = tpu.vector_load %arg7[%parallel_loop3A_163, %parallel_loop3A_164, %parallel_loop3A_165] {strides = array<i32>} : memref<2x16x2048xf32, #tpu.memory_space<vmem>>, vector<16xf32>,
        tpu.vector_store %arg7[%parallel_loop3A_163, %parallel_loop3A_164, %parallel_loop3A_165], %parallel_loop3A_158 {strides = array<i32>} : memref<2x16x2048xf32, #tpu.memory_space<vmem>>, vector<16xf32>,
        %parallel_loop3A_167 = arith.constant 96 : i32
        %parallel_loop3A_168 = vector.broadcast %parallel_loop3A_167 : i32 to vector<16xi32>
        %parallel_loop3A_169 = arith.addi %parallel_loop3A_130, %parallel_loop3A_168 : vector<16xi32>
        %parallel_loop3A_170 = tpu.vector_load_idx %arg6[%parallel_loop3A_169] : memref<512xf32, #tpu.memory_space<vmem>>[vector<16xi32>], vector<16xf32>,
        %parallel_loop3A_171 = arith.constant 16 : i32
        %parallel_loop3A_172 = arith.muli %parallel_loop3A_110, %parallel_loop3A_171 : i32
        %parallel_loop3A_173 = arith.constant 1 : i32
        %parallel_loop3A_174 = arith.constant 3 : i32
        %parallel_loop3A_175 = arith.index_cast %parallel_loop3A_173 : i32 to index
        %parallel_loop3A_176 = arith.index_cast %parallel_loop3A_174 : i32 to index
        %parallel_loop3A_177 = arith.index_cast %parallel_loop3A_172 : i32 to index
        %parallel_loop3A_178 = tpu.vector_load %arg7[%parallel_loop3A_175, %parallel_loop3A_176, %parallel_loop3A_177] {strides = array<i32>} : memref<2x16x2048xf32, #tpu.memory_space<vmem>>, vector<16xf32>,
        tpu.vector_store %arg7[%parallel_loop3A_175, %parallel_loop3A_176, %parallel_loop3A_177], %parallel_loop3A_170 {strides = array<i32>} : memref<2x16x2048xf32, #tpu.memory_space<vmem>>, vector<16xf32>,
        %parallel_loop3A_179 = arith.constant 128 : i32
        %parallel_loop3A_180 = vector.broadcast %parallel_loop3A_179 : i32 to vector<16xi32>
        %parallel_loop3A_181 = arith.addi %parallel_loop3A_130, %parallel_loop3A_180 : vector<16xi32>
        %parallel_loop3A_182 = tpu.vector_load_idx %arg6[%parallel_loop3A_181] : memref<512xf32, #tpu.memory_space<vmem>>[vector<16xi32>], vector<16xf32>,
        %parallel_loop3A_183 = arith.constant 16 : i32
        %parallel_loop3A_184 = arith.muli %parallel_loop3A_110, %parallel_loop3A_183 : i32
        %parallel_loop3A_185 = arith.constant 1 : i32
        %parallel_loop3A_186 = arith.constant 4 : i32
        %parallel_loop3A_187 = arith.index_cast %parallel_loop3A_185 : i32 to index
        %parallel_loop3A_188 = arith.index_cast %parallel_loop3A_186 : i32 to index
        %parallel_loop3A_189 = arith.index_cast %parallel_loop3A_184 : i32 to index
        %parallel_loop3A_190 = tpu.vector_load %arg7[%parallel_loop3A_187, %parallel_loop3A_188, %parallel_loop3A_189] {strides = array<i32>} : memref<2x16x2048xf32, #tpu.memory_space<vmem>>, vector<16xf32>,
        tpu.vector_store %arg7[%parallel_loop3A_187, %parallel_loop3A_188, %parallel_loop3A_189], %parallel_loop3A_182 {strides = array<i32>} : memref<2x16x2048xf32, #tpu.memory_space<vmem>>, vector<16xf32>,
        %parallel_loop3A_191 = arith.constant 160 : i32
        %parallel_loop3A_192 = vector.broadcast %parallel_loop3A_191 : i32 to vector<16xi32>
        %parallel_loop3A_193 = arith.addi %parallel_loop3A_130, %parallel_loop3A_192 : vector<16xi32>
        %parallel_loop3A_194 = tpu.vector_load_idx %arg6[%parallel_loop3A_193] : memref<512xf32, #tpu.memory_space<vmem>>[vector<16xi32>], vector<16xf32>,
        %parallel_loop3A_195 = arith.constant 16 : i32
        %parallel_loop3A_196 = arith.muli %parallel_loop3A_110, %parallel_loop3A_195 : i32
        %parallel_loop3A_197 = arith.constant 1 : i32
        %parallel_loop3A_198 = arith.constant 5 : i32
        %parallel_loop3A_199 = arith.index_cast %parallel_loop3A_197 : i32 to index
        %parallel_loop3A_200 = arith.index_cast %parallel_loop3A_198 : i32 to index
        %parallel_loop3A_201 = arith.index_cast %parallel_loop3A_196 : i32 to index
        %parallel_loop3A_202 = tpu.vector_load %arg7[%parallel_loop3A_199, %parallel_loop3A_200, %parallel_loop3A_201] {strides = array<i32>} : memref<2x16x2048xf32, #tpu.memory_space<vmem>>, vector<16xf32>,
        tpu.vector_store %arg7[%parallel_loop3A_199, %parallel_loop3A_200, %parallel_loop3A_201], %parallel_loop3A_194 {strides = array<i32>} : memref<2x16x2048xf32, #tpu.memory_space<vmem>>, vector<16xf32>,
        %parallel_loop3A_203 = arith.constant 192 : i32
        %parallel_loop3A_204 = vector.broadcast %parallel_loop3A_203 : i32 to vector<16xi32>
        %parallel_loop3A_205 = arith.addi %parallel_loop3A_130, %parallel_loop3A_204 : vector<16xi32>
        %parallel_loop3A_206 = tpu.vector_load_idx %arg6[%parallel_loop3A_205] : memref<512xf32, #tpu.memory_space<vmem>>[vector<16xi32>], vector<16xf32>,
        %parallel_loop3A_207 = arith.constant 16 : i32
        %parallel_loop3A_208 = arith.muli %parallel_loop3A_110, %parallel_loop3A_207 : i32
        %parallel_loop3A_209 = arith.constant 1 : i32
        %parallel_loop3A_210 = arith.constant 6 : i32
        %parallel_loop3A_211 = arith.index_cast %parallel_loop3A_209 : i32 to index
        %parallel_loop3A_212 = arith.index_cast %parallel_loop3A_210 : i32 to index
        %parallel_loop3A_213 = arith.index_cast %parallel_loop3A_208 : i32 to index
        %parallel_loop3A_214 = tpu.vector_load %arg7[%parallel_loop3A_211, %parallel_loop3A_212, %parallel_loop3A_213] {strides = array<i32>} : memref<2x16x2048xf32, #tpu.memory_space<vmem>>, vector<16xf32>,
        tpu.vector_store %arg7[%parallel_loop3A_211, %parallel_loop3A_212, %parallel_loop3A_213], %parallel_loop3A_206 {strides = array<i32>} : memref<2x16x2048xf32, #tpu.memory_space<vmem>>, vector<16xf32>,
        %parallel_loop3A_215 = arith.constant 224 : i32
        %parallel_loop3A_216 = vector.broadcast %parallel_loop3A_215 : i32 to vector<16xi32>
        %parallel_loop3A_217 = arith.addi %parallel_loop3A_130, %parallel_loop3A_216 : vector<16xi32>
        %parallel_loop3A_218 = tpu.vector_load_idx %arg6[%parallel_loop3A_217] : memref<512xf32, #tpu.memory_space<vmem>>[vector<16xi32>], vector<16xf32>,
        %parallel_loop3A_219 = arith.constant 16 : i32
        %parallel_loop3A_220 = arith.muli %parallel_loop3A_110, %parallel_loop3A_219 : i32
        %parallel_loop3A_221 = arith.constant 1 : i32
        %parallel_loop3A_222 = arith.constant 7 : i32
        %parallel_loop3A_223 = arith.index_cast %parallel_loop3A_221 : i32 to index
        %parallel_loop3A_224 = arith.index_cast %parallel_loop3A_222 : i32 to index
        %parallel_loop3A_225 = arith.index_cast %parallel_loop3A_220 : i32 to index
        %parallel_loop3A_226 = tpu.vector_load %arg7[%parallel_loop3A_223, %parallel_loop3A_224, %parallel_loop3A_225] {strides = array<i32>} : memref<2x16x2048xf32, #tpu.memory_space<vmem>>, vector<16xf32>,
        tpu.vector_store %arg7[%parallel_loop3A_223, %parallel_loop3A_224, %parallel_loop3A_225], %parallel_loop3A_218 {strides = array<i32>} : memref<2x16x2048xf32, #tpu.memory_space<vmem>>, vector<16xf32>,
        %parallel_loop3A_227 = arith.constant 256 : i32
        %parallel_loop3A_228 = vector.broadcast %parallel_loop3A_227 : i32 to vector<16xi32>
        %parallel_loop3A_229 = arith.addi %parallel_loop3A_130, %parallel_loop3A_228 : vector<16xi32>
        %parallel_loop3A_230 = tpu.vector_load_idx %arg6[%parallel_loop3A_229] : memref<512xf32, #tpu.memory_space<vmem>>[vector<16xi32>], vector<16xf32>,
        %parallel_loop3A_231 = arith.constant 16 : i32
        %parallel_loop3A_232 = arith.muli %parallel_loop3A_110, %parallel_loop3A_231 : i32
        %parallel_loop3A_233 = arith.constant 1 : i32
        %parallel_loop3A_234 = arith.constant 8 : i32
        %parallel_loop3A_235 = arith.index_cast %parallel_loop3A_233 : i32 to index
        %parallel_loop3A_236 = arith.index_cast %parallel_loop3A_234 : i32 to index
        %parallel_loop3A_237 = arith.index_cast %parallel_loop3A_232 : i32 to index
        %parallel_loop3A_238 = tpu.vector_load %arg7[%parallel_loop3A_235, %parallel_loop3A_236, %parallel_loop3A_237] {strides = array<i32>} : memref<2x16x2048xf32, #tpu.memory_space<vmem>>, vector<16xf32>,
        tpu.vector_store %arg7[%parallel_loop3A_235, %parallel_loop3A_236, %parallel_loop3A_237], %parallel_loop3A_230 {strides = array<i32>} : memref<2x16x2048xf32, #tpu.memory_space<vmem>>, vector<16xf32>,
        %parallel_loop3A_239 = arith.constant 288 : i32
        %parallel_loop3A_240 = vector.broadcast %parallel_loop3A_239 : i32 to vector<16xi32>
        %parallel_loop3A_241 = arith.addi %parallel_loop3A_130, %parallel_loop3A_240 : vector<16xi32>
        %parallel_loop3A_242 = tpu.vector_load_idx %arg6[%parallel_loop3A_241] : memref<512xf32, #tpu.memory_space<vmem>>[vector<16xi32>], vector<16xf32>,
        %parallel_loop3A_243 = arith.constant 16 : i32
        %parallel_loop3A_244 = arith.muli %parallel_loop3A_110, %parallel_loop3A_243 : i32
        %parallel_loop3A_245 = arith.constant 1 : i32
        %parallel_loop3A_246 = arith.constant 9 : i32
        %parallel_loop3A_247 = arith.index_cast %parallel_loop3A_245 : i32 to index
        %parallel_loop3A_248 = arith.index_cast %parallel_loop3A_246 : i32 to index
        %parallel_loop3A_249 = arith.index_cast %parallel_loop3A_244 : i32 to index
        %parallel_loop3A_250 = tpu.vector_load %arg7[%parallel_loop3A_247, %parallel_loop3A_248, %parallel_loop3A_249] {strides = array<i32>} : memref<2x16x2048xf32, #tpu.memory_space<vmem>>, vector<16xf32>,
        tpu.vector_store %arg7[%parallel_loop3A_247, %parallel_loop3A_248, %parallel_loop3A_249], %parallel_loop3A_242 {strides = array<i32>} : memref<2x16x2048xf32, #tpu.memory_space<vmem>>, vector<16xf32>,
        %parallel_loop3A_251 = arith.constant 320 : i32
        %parallel_loop3A_252 = vector.broadcast %parallel_loop3A_251 : i32 to vector<16xi32>
        %parallel_loop3A_253 = arith.addi %parallel_loop3A_130, %parallel_loop3A_252 : vector<16xi32>
        %parallel_loop3A_254 = tpu.vector_load_idx %arg6[%parallel_loop3A_253] : memref<512xf32, #tpu.memory_space<vmem>>[vector<16xi32>], vector<16xf32>,
        %parallel_loop3A_255 = arith.constant 16 : i32
        %parallel_loop3A_256 = arith.muli %parallel_loop3A_110, %parallel_loop3A_255 : i32
        %parallel_loop3A_257 = arith.constant 1 : i32
        %parallel_loop3A_258 = arith.constant 10 : i32
        %parallel_loop3A_259 = arith.index_cast %parallel_loop3A_257 : i32 to index
        %parallel_loop3A_260 = arith.index_cast %parallel_loop3A_258 : i32 to index
        %parallel_loop3A_261 = arith.index_cast %parallel_loop3A_256 : i32 to index
        %parallel_loop3A_262 = tpu.vector_load %arg7[%parallel_loop3A_259, %parallel_loop3A_260, %parallel_loop3A_261] {strides = array<i32>} : memref<2x16x2048xf32, #tpu.memory_space<vmem>>, vector<16xf32>,
        tpu.vector_store %arg7[%parallel_loop3A_259, %parallel_loop3A_260, %parallel_loop3A_261], %parallel_loop3A_254 {strides = array<i32>} : memref<2x16x2048xf32, #tpu.memory_space<vmem>>, vector<16xf32>,
        %parallel_loop3A_263 = arith.constant 352 : i32
        %parallel_loop3A_264 = vector.broadcast %parallel_loop3A_263 : i32 to vector<16xi32>
        %parallel_loop3A_265 = arith.addi %parallel_loop3A_130, %parallel_loop3A_264 : vector<16xi32>
        %parallel_loop3A_266 = tpu.vector_load_idx %arg6[%parallel_loop3A_265] : memref<512xf32, #tpu.memory_space<vmem>>[vector<16xi32>], vector<16xf32>,
        %parallel_loop3A_267 = arith.constant 16 : i32
        %parallel_loop3A_268 = arith.muli %parallel_loop3A_110, %parallel_loop3A_267 : i32
        %parallel_loop3A_269 = arith.constant 1 : i32
        %parallel_loop3A_270 = arith.constant 11 : i32
        %parallel_loop3A_271 = arith.index_cast %parallel_loop3A_269 : i32 to index
        %parallel_loop3A_272 = arith.index_cast %parallel_loop3A_270 : i32 to index
        %parallel_loop3A_273 = arith.index_cast %parallel_loop3A_268 : i32 to index
        %parallel_loop3A_274 = tpu.vector_load %arg7[%parallel_loop3A_271, %parallel_loop3A_272, %parallel_loop3A_273] {strides = array<i32>} : memref<2x16x2048xf32, #tpu.memory_space<vmem>>, vector<16xf32>,
        tpu.vector_store %arg7[%parallel_loop3A_271, %parallel_loop3A_272, %parallel_loop3A_273], %parallel_loop3A_266 {strides = array<i32>} : memref<2x16x2048xf32, #tpu.memory_space<vmem>>, vector<16xf32>,
        %parallel_loop3A_275 = arith.constant 384 : i32
        %parallel_loop3A_276 = vector.broadcast %parallel_loop3A_275 : i32 to vector<16xi32>
        %parallel_loop3A_277 = arith.addi %parallel_loop3A_130, %parallel_loop3A_276 : vector<16xi32>
        %parallel_loop3A_278 = tpu.vector_load_idx %arg6[%parallel_loop3A_277] : memref<512xf32, #tpu.memory_space<vmem>>[vector<16xi32>], vector<16xf32>,
        %parallel_loop3A_279 = arith.constant 16 : i32
        %parallel_loop3A_280 = arith.muli %parallel_loop3A_110, %parallel_loop3A_279 : i32
        %parallel_loop3A_281 = arith.constant 1 : i32
        %parallel_loop3A_282 = arith.constant 12 : i32
        %parallel_loop3A_283 = arith.index_cast %parallel_loop3A_281 : i32 to index
        %parallel_loop3A_284 = arith.index_cast %parallel_loop3A_282 : i32 to index
        %parallel_loop3A_285 = arith.index_cast %parallel_loop3A_280 : i32 to index
        %parallel_loop3A_286 = tpu.vector_load %arg7[%parallel_loop3A_283, %parallel_loop3A_284, %parallel_loop3A_285] {strides = array<i32>} : memref<2x16x2048xf32, #tpu.memory_space<vmem>>, vector<16xf32>,
        tpu.vector_store %arg7[%parallel_loop3A_283, %parallel_loop3A_284, %parallel_loop3A_285], %parallel_loop3A_278 {strides = array<i32>} : memref<2x16x2048xf32, #tpu.memory_space<vmem>>, vector<16xf32>,
        %parallel_loop3A_287 = arith.constant 416 : i32
        %parallel_loop3A_288 = vector.broadcast %parallel_loop3A_287 : i32 to vector<16xi32>
        %parallel_loop3A_289 = arith.addi %parallel_loop3A_130, %parallel_loop3A_288 : vector<16xi32>
        %parallel_loop3A_290 = tpu.vector_load_idx %arg6[%parallel_loop3A_289] : memref<512xf32, #tpu.memory_space<vmem>>[vector<16xi32>], vector<16xf32>,
        %parallel_loop3A_291 = arith.constant 16 : i32
        %parallel_loop3A_292 = arith.muli %parallel_loop3A_110, %parallel_loop3A_291 : i32
        %parallel_loop3A_293 = arith.constant 1 : i32
        %parallel_loop3A_294 = arith.constant 13 : i32
        %parallel_loop3A_295 = arith.index_cast %parallel_loop3A_293 : i32 to index
        %parallel_loop3A_296 = arith.index_cast %parallel_loop3A_294 : i32 to index
        %parallel_loop3A_297 = arith.index_cast %parallel_loop3A_292 : i32 to index
        %parallel_loop3A_298 = tpu.vector_load %arg7[%parallel_loop3A_295, %parallel_loop3A_296, %parallel_loop3A_297] {strides = array<i32>} : memref<2x16x2048xf32, #tpu.memory_space<vmem>>, vector<16xf32>,
        tpu.vector_store %arg7[%parallel_loop3A_295, %parallel_loop3A_296, %parallel_loop3A_297], %parallel_loop3A_290 {strides = array<i32>} : memref<2x16x2048xf32, #tpu.memory_space<vmem>>, vector<16xf32>,
        %parallel_loop3A_299 = arith.constant 448 : i32
        %parallel_loop3A_300 = vector.broadcast %parallel_loop3A_299 : i32 to vector<16xi32>
        %parallel_loop3A_301 = arith.addi %parallel_loop3A_130, %parallel_loop3A_300 : vector<16xi32>
        %parallel_loop3A_302 = tpu.vector_load_idx %arg6[%parallel_loop3A_301] : memref<512xf32, #tpu.memory_space<vmem>>[vector<16xi32>], vector<16xf32>,
        %parallel_loop3A_303 = arith.constant 16 : i32
        %parallel_loop3A_304 = arith.muli %parallel_loop3A_110, %parallel_loop3A_303 : i32
        %parallel_loop3A_305 = arith.constant 1 : i32
        %parallel_loop3A_306 = arith.constant 14 : i32
        %parallel_loop3A_307 = arith.index_cast %parallel_loop3A_305 : i32 to index
        %parallel_loop3A_308 = arith.index_cast %parallel_loop3A_306 : i32 to index
        %parallel_loop3A_309 = arith.index_cast %parallel_loop3A_304 : i32 to index
        %parallel_loop3A_310 = tpu.vector_load %arg7[%parallel_loop3A_307, %parallel_loop3A_308, %parallel_loop3A_309] {strides = array<i32>} : memref<2x16x2048xf32, #tpu.memory_space<vmem>>, vector<16xf32>,
        tpu.vector_store %arg7[%parallel_loop3A_307, %parallel_loop3A_308, %parallel_loop3A_309], %parallel_loop3A_302 {strides = array<i32>} : memref<2x16x2048xf32, #tpu.memory_space<vmem>>, vector<16xf32>,
        %parallel_loop3A_311 = arith.constant 480 : i32
        %parallel_loop3A_312 = vector.broadcast %parallel_loop3A_311 : i32 to vector<16xi32>
        %parallel_loop3A_313 = arith.addi %parallel_loop3A_130, %parallel_loop3A_312 : vector<16xi32>
        %parallel_loop3A_314 = tpu.vector_load_idx %arg6[%parallel_loop3A_313] : memref<512xf32, #tpu.memory_space<vmem>>[vector<16xi32>], vector<16xf32>,
        %parallel_loop3A_315 = arith.constant 16 : i32
        %parallel_loop3A_316 = arith.muli %parallel_loop3A_110, %parallel_loop3A_315 : i32
        %parallel_loop3A_317 = arith.constant 1 : i32
        %parallel_loop3A_318 = arith.constant 15 : i32
        %parallel_loop3A_319 = arith.index_cast %parallel_loop3A_317 : i32 to index
        %parallel_loop3A_320 = arith.index_cast %parallel_loop3A_318 : i32 to index
        %parallel_loop3A_321 = arith.index_cast %parallel_loop3A_316 : i32 to index
        %parallel_loop3A_322 = tpu.vector_load %arg7[%parallel_loop3A_319, %parallel_loop3A_320, %parallel_loop3A_321] {strides = array<i32>} : memref<2x16x2048xf32, #tpu.memory_space<vmem>>, vector<16xf32>,
        tpu.vector_store %arg7[%parallel_loop3A_319, %parallel_loop3A_320, %parallel_loop3A_321], %parallel_loop3A_314 {strides = array<i32>} : memref<2x16x2048xf32, #tpu.memory_space<vmem>>, vector<16xf32>,
      } {sc.loop_unroll_factor = 8 : i64, sc.parallel_access}
      %dma_start3A_93 = arith.constant 1 : i32
      %dma_start3A_94 = arith.constant 0 : i32
      %dma_start3A_95 = arith.constant 0 : i32
      %dma_start3A_96 = tpu.memref_slice %arg7[%dma_start3A_93, %dma_start3A_94, %dma_start3A_95] : memref<2x16x2048xf32, #tpu.memory_space<vmem>> -> memref<1x16x2048xf32, #tpu.memory_space<vmem>>
      %dma_start3A_97 = tpu.memref_squeeze %dma_start3A_96 : memref<1x16x2048xf32, #tpu.memory_space<vmem>> -> memref<16x2048xf32, #tpu.memory_space<vmem>>
      %dma_start3A_98 = arith.constant 0 : i32
      %dma_start3A_99 = arith.constant 0 : i32
      %dma_start3A_100 = tpu.memref_slice %arg4[%dma_start3A_98, %add3A_82, %dma_start3A_99] : memref<16x2048x2048xf32, #tpu.memory_space<hbm>> -> memref<16x1x2048xf32, #tpu.memory_space<hbm>>
      %dma_start3A_101 = tpu.memref_squeeze %dma_start3A_100 : memref<16x1x2048xf32, #tpu.memory_space<hbm>> -> memref<16x2048xf32, #tpu.memory_space<hbm>>
      %dma_start3A_102 = arith.constant 0 : i32
      %dma_start3A_103 = arith.constant 0 : i32
      %dma_start3A_104 = tpu.memref_slice %arg4[%dma_start3A_102, %add3A_82, %dma_start3A_103] : memref<16x2048x2048xf32, #tpu.memory_space<hbm>> -> memref<16x1x2048xf32, #tpu.memory_space<hbm>>
      %dma_start3A_105 = tpu.memref_squeeze %dma_start3A_104 : memref<16x1x2048xf32, #tpu.memory_space<hbm>> -> memref<16x2048xf32, #tpu.memory_space<hbm>>
      %dma_start3A_106 = arith.constant 0 : i32
      %dma_start3A_107 = arith.constant 0 : i32
      %dma_start3A_108 = tpu.memref_slice %arg7[%dma_start3A_93, %dma_start3A_106, %dma_start3A_107] : memref<2x16x2048xf32, #tpu.memory_space<vmem>> -> memref<1x16x2048xf32, #tpu.memory_space<vmem>>
      %dma_start3A_109 = tpu.memref_squeeze %dma_start3A_108 : memref<1x16x2048xf32, #tpu.memory_space<vmem>> -> memref<16x2048xf32, #tpu.memory_space<vmem>>
      tpu.enqueue_dma source(%dma_start3A_109 : memref<16x2048xf32, #tpu.memory_space<vmem>>) target(%dma_start3A_105 : memref<16x2048xf32, #tpu.memory_space<hbm>>) target_semaphore(%arg9 : memref<!tpu.dma_semaphore, #tpu.memory_space<semaphore_mem>>)
    }
    %scan3A_7 = arith.constant 32 : i32
    %add3A_8 = arith.constant 64 : i32
    %add3A_9 = arith.addi %mul3A_2, %add3A_8 : i32
    %sub3A = arith.constant 2 : i32
    %sub3A_10 = arith.subi %add3A_9, %sub3A : i32
    %add3A_11 = arith.constant 0 : i32
    %add3A_12 = arith.addi %sub3A_10, %add3A_11 : i32
    %dma_wait3A = arith.constant 0 : i32
    %dma_wait3A_13 = arith.constant 0 : i32
    %dma_wait3A_14 = arith.constant 0 : i32
    %dma_wait3A_15 = tpu.memref_slice %arg7[%dma_wait3A, %dma_wait3A_13, %dma_wait3A_14] : memref<2x16x2048xf32, #tpu.memory_space<vmem>> -> memref<1x16x2048xf32, #tpu.memory_space<vmem>>
    %dma_wait3A_16 = tpu.memref_squeeze %dma_wait3A_15 : memref<1x16x2048xf32, #tpu.memory_space<vmem>> -> memref<16x2048xf32, #tpu.memory_space<vmem>>
    %dma_wait3A_17 = arith.constant 0 : i32
    %dma_wait3A_18 = arith.constant 0 : i32
    %dma_wait3A_19 = tpu.memref_slice %arg4[%dma_wait3A_17, %add3A_12, %dma_wait3A_18] : memref<16x2048x2048xf32, #tpu.memory_space<hbm>> -> memref<16x1x2048xf32, #tpu.memory_space<hbm>>
    %dma_wait3A_20 = tpu.memref_squeeze %dma_wait3A_19 : memref<16x1x2048xf32, #tpu.memory_space<hbm>> -> memref<16x2048xf32, #tpu.memory_space<hbm>>
    %dma_wait3A_21 = arith.constant 0 : i32
    %dma_wait3A_22 = arith.constant 0 : i32
    %dma_wait3A_23 = tpu.memref_slice %arg4[%dma_wait3A_21, %add3A_12, %dma_wait3A_22] : memref<16x2048x2048xf32, #tpu.memory_space<hbm>> -> memref<16x1x2048xf32, #tpu.memory_space<hbm>>
    %dma_wait3A_24 = tpu.memref_squeeze %dma_wait3A_23 : memref<16x1x2048xf32, #tpu.memory_space<hbm>> -> memref<16x2048xf32, #tpu.memory_space<hbm>>
    %dma_wait3A_25 = arith.constant 0 : i32
    %dma_wait3A_26 = arith.constant 0 : i32
    %dma_wait3A_27 = tpu.memref_slice %arg7[%dma_wait3A, %dma_wait3A_25, %dma_wait3A_26] : memref<2x16x2048xf32, #tpu.memory_space<vmem>> -> memref<1x16x2048xf32, #tpu.memory_space<vmem>>
    %dma_wait3A_28 = tpu.memref_squeeze %dma_wait3A_27 : memref<1x16x2048xf32, #tpu.memory_space<vmem>> -> memref<16x2048xf32, #tpu.memory_space<vmem>>
    tpu.wait_dma2 semaphore(%arg8 : memref<!tpu.dma_semaphore, #tpu.memory_space<semaphore_mem>>) src(%dma_wait3A_28 : memref<16x2048xf32, #tpu.memory_space<vmem>>) dst(%dma_wait3A_24 : memref<16x2048xf32, #tpu.memory_space<hbm>>)
    %add3A_29 = arith.constant 64 : i32
    %add3A_30 = arith.addi %mul3A_2, %add3A_29 : i32
    %sub3A_31 = arith.constant 2 : i32
    %sub3A_32 = arith.subi %add3A_30, %sub3A_31 : i32
    %add3A_33 = arith.constant 1 : i32
    %add3A_34 = arith.addi %sub3A_32, %add3A_33 : i32
    %dma_wait3A_35 = arith.constant 1 : i32
    %dma_wait3A_36 = arith.constant 0 : i32
    %dma_wait3A_37 = arith.constant 0 : i32
    %dma_wait3A_38 = tpu.memref_slice %arg7[%dma_wait3A_35, %dma_wait3A_36, %dma_wait3A_37] : memref<2x16x2048xf32, #tpu.memory_space<vmem>> -> memref<1x16x2048xf32, #tpu.memory_space<vmem>>
    %dma_wait3A_39 = tpu.memref_squeeze %dma_wait3A_38 : memref<1x16x2048xf32, #tpu.memory_space<vmem>> -> memref<16x2048xf32, #tpu.memory_space<vmem>>
    %dma_wait3A_40 = arith.constant 0 : i32
    %dma_wait3A_41 = arith.constant 0 : i32
    %dma_wait3A_42 = tpu.memref_slice %arg4[%dma_wait3A_40, %add3A_34, %dma_wait3A_41] : memref<16x2048x2048xf32, #tpu.memory_space<hbm>> -> memref<16x1x2048xf32, #tpu.memory_space<hbm>>
    %dma_wait3A_43 = tpu.memref_squeeze %dma_wait3A_42 : memref<16x1x2048xf32, #tpu.memory_space<hbm>> -> memref<16x2048xf32, #tpu.memory_space<hbm>>
    %dma_wait3A_44 = arith.constant 0 : i32
    %dma_wait3A_45 = arith.constant 0 : i32
    %dma_wait3A_46 = tpu.memref_slice %arg4[%dma_wait3A_44, %add3A_34, %dma_wait3A_45] : memref<16x2048x2048xf32, #tpu.memory_space<hbm>> -> memref<16x1x2048xf32, #tpu.memory_space<hbm>>
    %dma_wait3A_47 = tpu.memref_squeeze %dma_wait3A_46 : memref<16x1x2048xf32, #tpu.memory_space<hbm>> -> memref<16x2048xf32, #tpu.memory_space<hbm>>
    %dma_wait3A_48 = arith.constant 0 : i32
    %dma_wait3A_49 = arith.constant 0 : i32
    %dma_wait3A_50 = tpu.memref_slice %arg7[%dma_wait3A_35, %dma_wait3A_48, %dma_wait3A_49] : memref<2x16x2048xf32, #tpu.memory_space<vmem>> -> memref<1x16x2048xf32, #tpu.memory_space<vmem>>
    %dma_wait3A_51 = tpu.memref_squeeze %dma_wait3A_50 : memref<1x16x2048xf32, #tpu.memory_space<vmem>> -> memref<16x2048xf32, #tpu.memory_space<vmem>>
    tpu.wait_dma2 semaphore(%arg9 : memref<!tpu.dma_semaphore, #tpu.memory_space<semaphore_mem>>) src(%dma_wait3A_51 : memref<16x2048xf32, #tpu.memory_space<vmem>>) dst(%dma_wait3A_47 : memref<16x2048xf32, #tpu.memory_space<hbm>>)
    return
  }
}

module attributes {stable_mosaic.version = 14 : i64} {
  func.func @_scale_fold_kernel(%arg0: memref<16x1xf32, #tpu.memory_space<vmem>>, %arg1: memref<32x16xf32, #tpu.memory_space<vmem>>, %arg2: memref<16x32xf32, #tpu.memory_space<vmem>>) attributes {dimension_semantics = [], scalar_prefetch = 0 : i64, scratch_operands = 0 : i64, tpu.core_type = #tpu.core_type<tc>} {
    %get3A = arith.constant 0 : index
    %get3A_0 = arith.constant 0 : index
    %get3A_1 = vector.load %arg0[%get3A, %get3A_0] : memref<16x1xf32, #tpu.memory_space<vmem>>, vector<16x1xf32>
    %get3A_2 = arith.constant 0 : index
    %get3A_3 = arith.constant 0 : index
    %get3A_4 = vector.load %arg1[%get3A_2, %get3A_3] : memref<32x16xf32, #tpu.memory_space<vmem>>, vector<32x16xf32>
    %transpose3A = tpu.transpose %get3A_4, [1, 0] : vector<32x16xf32> -> vector<16x32xf32>
    %mul3A = vector.broadcast %get3A_1 : vector<16x1xf32> to vector<16x32xf32>
    %mul3A_5 = arith.mulf %mul3A, %transpose3A : vector<16x32xf32>
    %swap3A = arith.constant 0 : index
    %swap3A_6 = arith.constant 0 : index
    %swap3A_7 = vector.load %arg2[%swap3A, %swap3A_6] : memref<16x32xf32, #tpu.memory_space<vmem>>, vector<16x32xf32>
    tpu.vector_store %arg2[%swap3A, %swap3A_6], %mul3A_5 {strides = array<i32>} : memref<16x32xf32, #tpu.memory_space<vmem>>, vector<16x32xf32>,
    return
  }
}

</mosaic_0001>

<sc_bundles>
// kernel: kernel.4.cloned.1.call-start
scs
__scs_entry_jumppad:
0x0: {  	(pc) =	sbr.rel $0x88, $3  }
0x1: {  	(tag) =	ssettag $0x0;
	lr =	simm.s32 $0x1  }
0x2: {  	[smem:$0x3F9E] =	sst lr;
	_ =	strace $0xD0000000  }
0x3: {  	_ = 	snop  }
0x4: {  	_ = 	snop  }
0x5: {  	_ = 	snop  }
0x6: {  	_ = 	snop  }
0x7: {  	_ = 	snop  }
__scs_overlays_trampoline_lowered:
0x8: {  	[smem:$0x3FAD] =	sst s0  }
0x9: {  	[smem:$0x3FAE] =	sst s1  }
0xa: {  	[smem:$0x3FAF] =	sst s2  }
0xb: {  	[smem:$0x3FB0] =	sst s3  }
0xc: {  	[smem:$0x3FB1] =	sst s4  }
0xd: {  	[smem:$0x3FB2] =	sst s5  }
0xe: {  	[smem:$0x3FB3] =	sst s6  }
0xf: {  	[smem:$0x3FB4] =	sst s7  }
0x10: {  	[smem:$0x3FB5] =	sst s8  }
0x11: {  	[smem:$0x3FB6] =	sst s9;
	s0 =	simm.s32 @!p0 $0x0  }
0x12: {  	s1 =	sld [smem:$0x3F9C];
	s0 =	simm.s32 @p0 $0x1  }
0x13: {  	[smem:$0x3FB7] =	sst s0;
	s0 =	simm.s32 @!p1 $0x0  }
0x14: {  	s2 =	sld [smem:$0x3F9B];
	s0 =	simm.s32 @p1 $0x1  }
0x15: {  	[smem:$0x3FB8] =	sst s0;
	s0 =	simm.s32 @!p2 $0x0  }
0x16: {  	s3 =	sld [smem:$0x3FDB];
	s0 =	simm.s32 @p2 $0x1  }
0x17: {  	s4 =	simm.s32 $0x1BF5;
	[smem:$0x3FBA] =	sst s0  }
0x18: {  	s0 =	sld [smem:$0x3F9D];
	_ =	swait.ge [sflag:s4], $0x0  }
0x19: {  	s7 =	sld [smem:$0x3F9E]  }
0x1a: {  	s8 =	sadd.s32 $0xFFFFE003, lr  }
0x1b: {  	s9 =	sadd.s32 $0xFFFFFEF7, lr;
	s5 =	simm.s32 $0xFFFFFFFF;
	p2 =	slt.u32 s8, $0xFFFFF086  }
0x1c: {  	p1 =	slt.u32 s9, $0xF7A;
	s5 =	simm.s32 @!p2 $0x0  }
0x1d: {  	s5 =	simm.s32 @p1 $0x1;
	p0 =	seq.s32 s7, s2  }
0x1e: {  	s7 =	smul.u32 @!p0 $0xF7A, s2;
	p2 =	seq.s32 @!p0 s5, $0x0  }
0x1f: {  	s9 =	smul.u32 $0xF7A, s1;
	s8 =	simm.s32 @!p0 $0x1BF5;
	p2 =	por !p2, p0  }
0x20: {  	[sflag:s8] =	ssyncset.s32 @!p0 $0xFFFFF086;
	s6 =	sadd.s32 @!p0 s3, s7;
	s7 =	simm.s32 @!p0 $0x108  }
0x21: {  	s3 =	sadd.s32 s3, s9;
	s6 =	sadd.s32 @!p0 $0x88, s6;
	s7 =	simm.s32 @p2 $0x1082  }
0x22: {  	[simem:s7], [sflag:s8] =	dma.local @!p0 [hbm:s6], $0xF7A  }
0x23: {  	s9 =	sor.u32 $0xD0000000, s2;
	s6 =	simm.s32 $0x108;
	_ =	swait.ge @!p0 [sflag:s8], $0x0  }
0x24: {  	s3 =	sadd.s32 $0x88, s3;
	s6 =	simm.s32 @!p1 $0x1082;
	[sflag:s4] =	ssyncset.s32 $0xFFFFF086  }
0x25: {  	[simem:s6], [sflag:s4] =	dma.local [hbm:s3], $0xF7A  }
0x26: {  	[smem:$0x3F9E] =	sst s1;
	(tag) =	ssettag s2;
	_ =	strace s9  }
0x27: {  	s1 =	sld [smem:$0x3FAE]  }
0x28: {  	s2 =	sld [smem:$0x3FAF]  }
0x29: {  	s4 =	sld [smem:$0x3FB1]  }
0x2a: {  	p0 =	seq.s32 s5, $0x0;
	s5 =	sld [smem:$0x3FB2]  }
0x2b: {  	s6 =	sld [smem:$0x3FB3]  }
0x2c: {  	s7 =	sld [smem:$0x3FB4]  }
0x2d: {  	s3 =	simm.s32 $0x108;
	s8 =	sld [smem:$0x3FB5]  }
0x2e: {  	s3 =	simm.s32 @!p0 $0x1082;
	s9 =	sld [smem:$0x3FB6]  }
0x2f: {  	lr =	sadd.s32 s0, s3;
	s0 =	sld [smem:$0x3FAD]  }
0x30: {  	s3 =	sld [smem:$0x3FB0]  }
0x31: {  	[smem:$0x3FB9] =	sst s10  }
0x32: {  	s10 =	sld [smem:$0x3FB7];
	_ =	sdelay $0x3  }
0x33: {  	p0 =	seq.s32 s10, $0x1;
	s10 =	sld [smem:$0x3FB9];
	_ =	sdelay $0x3  }
0x34: {  	[smem:$0x3FB9] =	sst s10  }
0x35: {  	s10 =	sld [smem:$0x3FB8];
	_ =	sdelay $0x3  }
0x36: {  	p1 =	seq.s32 s10, $0x1;
	s10 =	sld [smem:$0x3FB9];
	_ =	sdelay $0x3  }
0x37: {  	[smem:$0x3FB9] =	sst s10  }
0x38: {  	s10 =	sld [smem:$0x3FBA]  }
0x39: {  	_ = 	snop;
	(pc) =	sbr.ind lr, $3  }
0x3a: {  	_ = 	snop  }
0x3b: {  	_ = 	snop  }
0x3c: {  	p2 =	seq.s32 s10, $0x1;
	s10 =	sld [smem:$0x3FB9]  }
0x3d: {  	_ =	shalt  }
0x3e: {  	_ =	shalt  }
0x3f: {  	_ =	shalt  }
0x40: {  	_ =	shalt  }
0x41: {  	_ =	shalt  }
0x42: {  	_ =	shalt  }
0x43: {  	_ =	shalt  }
0x44: {  	_ =	shalt  }
0x45: {  	_ =	shalt  }
0x46: {  	_ =	shalt  }
0x47: {  	_ =	shalt  }
0x48: {  	_ =	shalt  }
0x49: {  	_ =	shalt  }
0x4a: {  	_ =	shalt  }
0x4b: {  	_ =	shalt  }
0x4c: {  	_ =	shalt  }
0x4d: {  	_ =	shalt  }
0x4e: {  	_ =	shalt  }
0x4f: {  	_ =	shalt  }
0x50: {  	_ =	shalt  }
0x51: {  	_ =	shalt  }
0x52: {  	_ =	shalt  }
0x53: {  	_ =	shalt  }
0x54: {  	_ =	shalt  }
0x55: {  	_ =	shalt  }
0x56: {  	_ =	shalt  }
0x57: {  	_ =	shalt  }
0x58: {  	_ =	shalt  }
0x59: {  	_ =	shalt  }
0x5a: {  	_ =	shalt  }
0x5b: {  	_ =	shalt  }
0x5c: {  	_ =	shalt  }
0x5d: {  	_ =	shalt  }
0x5e: {  	_ =	shalt  }
0x5f: {  	_ =	shalt  }
0x60: {  	_ =	shalt  }
0x61: {  	_ =	shalt  }
0x62: {  	_ =	shalt  }
0x63: {  	_ =	shalt  }
0x64: {  	_ =	shalt  }
0x65: {  	_ =	shalt  }
0x66: {  	_ =	shalt  }
0x67: {  	_ =	shalt  }
0x68: {  	_ =	shalt  }
0x69: {  	_ =	shalt  }
0x6a: {  	_ =	shalt  }
0x6b: {  	_ =	shalt  }
0x6c: {  	_ =	shalt  }
0x6d: {  	_ =	shalt  }
0x6e: {  	_ =	shalt  }
0x6f: {  	_ =	shalt  }
0x70: {  	_ =	shalt  }
0x71: {  	_ =	shalt  }
0x72: {  	_ =	shalt  }
0x73: {  	_ =	shalt  }
0x74: {  	_ =	shalt  }
0x75: {  	_ =	shalt  }
0x76: {  	_ =	shalt  }
0x77: {  	_ =	shalt  }
0x78: {  	_ =	shalt  }
0x79: {  	_ =	shalt  }
0x7a: {  	_ =	shalt  }
0x7b: {  	_ =	shalt  }
0x7c: {  	_ =	shalt  }
0x7d: {  	_ =	shalt  }
0x7e: {  	_ =	shalt  }
0x7f: {  	_ =	shalt  }
0x80: {  	_ =	shalt  }
0x81: {  	_ =	shalt  }
0x82: {  	_ =	shalt  }
0x83: {  	_ =	shalt  }
0x84: {  	_ =	shalt  }
0x85: {  	_ =	shalt  }
0x86: {  	_ =	shalt  }
0x87: {  	_ =	shalt  }
.Lfunc_end0:
.L_simem_size_0:
called_computation_lowered:
.L_overlay_start_0:
0x88: {  	s2 =	sld [smem:$0x3FD9]  }
0x89: {  	s3 =	sld [smem:$0x3FFE];
	_ =	sdelay $0x1  }
0x8a: {  	s1 =	srdreg.scid  }
0x8b: {  	s0 =	sand.u32 $0x1, s1  }
0x8c: {  	s17 =	sshll.u32 s0, $0xA;
	s2 =	sadd.s32 s3, s2  }
0x8d: {  	s2 =	sadd.s32 s2, s17  }
0x8e: {  	[smem:$0x3FC5] =	sst s2  }
0x8f: {  	_ = 	snop  }
0x90: {  	s2 =	sld [smem:$0x3FC9]  }
0x91: {  	s18 =	sld [smem:$0x3FD0];
	(tm) =	ssettm $0x1  }
0x92: {  	s4 =	sld [smem:$0x3FFB];
	_ =	sdelay $0x3  }
0x93: {  	_ =	strace s4  }
0x94: {  	s4 =	sld [smem:$0x3FFC];
	_ =	sdelay $0x3  }
0x95: {  	_ =	strace s4  }
0x96: {  	s4 =	sld [smem:$0x3FFD];
	_ =	sdelay $0x3  }
0x97: {  	_ =	strace s4  }
0x98: {  	_ =	strace $0x8FFFFFFF  }
0x99: {  	s19 =	sld [smem:$0x3FDB];
	_ =	sdelay $0x1  }
0x9a: {  	s5 =	simm.s32 $_scs_section_size  }
0x9b: {  	s6 =	simm.s32 $_size__tile_overlayer_lowered;
	s7 =	simm.s32 $_tile_overlayer_lowered  }
0x9c: {  	s22 =	simm.s32 $0x1BFF;
	s21 =	sshll.u32 s7, $0x1;
	s4 =	sadd.s32 s5, s19  }
0x9d: {  	s8 =	simm.s32 $0x0;
	s20 =	sshll.u32 s6, $0x1;
	s6 =	sadd.s32 s21, s4  }
0x9e: {  	[timem:s8], [sflag:s22] =	dma.local [hbm:s6], s20  }
0x9f: {  	_ =	swait.ge [sflag:s22], s20  }
0xa0: {  	s5 =	ssub.s32 $0x0, s20;
	[sflag:s22] =	ssyncset.done $0x0  }
0xa1: {  	[sflag:s22] =	ssyncadd.s32 s5;
	_ =	sdelay $0x1  }
0xa2: {  	s23 =	simm.s32 $0x1B8B  }
0xa3: {  	_ =	swait.ge [sflag:s23], $0x1  }
0xa4: {  	[sflag:s23] =	ssyncset.done $0x0  }
0xa5: {  	s25 =	simm.s32 $0x1B8E;
	s24 =	sld [smem:$0x3FFE];
	[sflag:s23] =	ssyncadd.s32 $0xFFFFFFFF  }
0xa6: {  	s26 =	simm.s32 $execute0_lowered;
	[smem:$0x3FD2] =	sst s25  }
0xa7: {  	s6 =	sshll.u32 s26, $0x1;
	_ =	strace $0x80000046;
	[dreg:$0x1] =	wrdreg $0xFFFFFFFF  }
0xa8: {  	s28 =	simm.s32 $_size_execute0_lowered;
	s4 =	sadd.s32 s4, s6;
	[dreg:$0x0] =	wrdreg $0x0  }
0xa9: {  	s6 =	sshll.u32 s28, $0x1;
	[dreg:$0x2] =	wrdreg s4  }
0xaa: {  	[dreg:$0x3] =	wrdreg s6  }
0xab: {  	[dreg:$0x4] =	wrdreg $0xC0  }
0xac: {  	_ =	task [dreg:s8], $0x5FFFF  }
0xad: {  	[dreg:$0x1] =	wrdreg $0xFFFFFFFF  }
0xae: {  	[dreg:$0x0] =	wrdreg $0x60  }
0xaf: {  	[dreg:$0x2] =	wrdreg s2  }
0xb0: {  	[dreg:$0x3] =	wrdreg s24  }
0xb1: {  	[dreg:$0x4] =	wrdreg s18  }
0xb2: {  	[dreg:$0x5] =	wrdreg $0x9  }
0xb3: {  	_ =	task.clear_ibuf [dreg:s8], $0x6FFFF;
	_ =	strace $0x90000046  }
0xb4: {  	s29 =	simm.s32 $0x9;
	_ =	strace $0x80000048  }
0xb5: {  	_ =	swait.ge [sflag:s29], $0x1  }
0xb6: {  	[sflag:s29] =	ssyncadd.s32 $0xFFFFFFFF  }
0xb7: {  	_ =	strace $0x90000048  }
0xb8: {  	_ =	sfence  }
0xb9: {  	s30 =	sld [smem:$0x0];
	_ =	sdelay $0x2  }
0xba: {  	s31 =	sshll.u32 s1, $0xD;
	s1 =	sshrl.u32 s1, $0x2  }
0xbb: {  	s3 =	sand.u32 $0x4000, s31;
	s1 =	sadd.s32 s1, s30  }
0xbc: {  	s0 =	sor.u32 s3, s0;
	s1 =	sshll.u32 s1, $0x11  }
0xbd: {  	s0 =	sor.u32 s1, s0  }
0xbe: {  	s0 =	sadd.s32 $0x8F2B, s0  }
0xbf: {  	[sflag:s0] =	ssyncadd.remote.s32 $0x1  }
0xc0: {  	_ =	sfence.sel $0xFFFF  }
0xc1: {  	[dreg:$0x0] =	wrdreg $0xFFFFFFFF;
	(pc) =	sbr.abs _section_cstart, $3  }
0xc2: {  	[dreg:$0x1] =	wrdreg $0xFFFFFFFF  }
0xc3: {  	_ =	task.clear_ibuf [dreg:s8], $0x2FFFF;
	_ =	strace $0x9FFFFFFF  }
0xc4: {  	(tm) =	ssettm $0x7FFFFFFF  }
0xc5: {  	_ =	shalt  }
tec
execute0_lowered:
.L_overlay_start_1:
0x0: {  	(tag) =	ssettag $0x1  }
0x1: {  	s1 =	rddreg [dreg:$0x0]  }
0x2: {  	s4 =	rddreg [dreg:$0x1]  }
0x3: {  	s2 =	rddreg [dreg:$0x2]  }
0x4: {  	s0 =	rddreg [dreg:$0x3]  }
0x5: {  	s3 =	simm.s32 $0x0;
	s5 =	srdreg.scid;
	s9 =	simm.s32 $0x800  }
0x6: {  	s10 =	simm.s32 $0x80;
	s11 =	simm.s32 $0x400000;
	s12 =	simm.s32 $0x1  }
0x7: {  	s13 =	simm.s32 $0x2;
	s14 =	simm.s32 $0x0;
	s6 =	sand.u32 $0x1, s5  }
0x8: {  	[smem:$0x7FF] =	sst s3;
	s5 =	sadd.s32 $0x400, s4;
	s7 =	ssub.s32 $0x2, s6  }
0x9: {  	s4 =	stileid.u32;
	_ =	strace $0x80000047;
	s8 =	sshrl.u32 s7, $0x1  }
0xa: {  	s31 =	sshll.u32 s4, $0x7;
	s6 =	sshll.u32 s6, $0x6;
	s7 =	ssub.s32 s7, s8  }
0xb: {  	s6 =	sor.u32 s6, s31;
	s8 =	simm.s32 $0x3;
	s7 =	smax.u32 s7, $0x1  }
.LBB2_1:
0xc: {  	[tilespmem:s3], [sflag:$0x3] =	stream.linear.gather [hbm4b:s1+s3], $0x800, $0x38;
	[tilespmem:$0x10A00] =	vst v63  }
0xd: {  	_ =	swait.ge [sflag:s8], $0x800  }
0xe: {  	[sflag:s8] =	ssyncset.done $0x0  }
0xf: {  	[sflag:s8] =	ssyncadd.s32 $0xFFFFF800  }
0x10: {  	[tilespmem:s9], [sflag:$0x3] =	stream.linear.gather [hbm4b:s5+s3], $0x200, $0x38;
	[tilespmem:$0x10A00] =	vst v63  }
0x11: {  	_ =	swait.ge [sflag:s8], $0x200  }
0x12: {  	[sflag:s8] =	ssyncset.done $0x0  }
0x13: {  	s15 =	simm.s32 $0x0;
	[sflag:s8] =	ssyncadd.s32 $0xFFFFFE00  }
.LBB2_2:
0x14: {  	s16 =	sshll.u32 s15, $0x1  }
0x15: {  	s16 =	sadd.s32 s6, s16  }
0x16: {  	v0 =	vmov s16  }
0x17: {  	v0 =	vand.u32 $0xFFFFFFFE, v0  }
0x18: {  	p0 =	seq.s32 s15, $0x0;
	v0 =	vbroadcast v0, $0x0  }
0x19: {  	s17 =	simm.s32 @!p0 $0x1  }
0x1a: {  	_ =	swait.ge @!p0 [sflag:s17], $0x8000  }
0x1b: {  	[sflag:s17] =	ssyncset.done @!p0 $0x0  }
0x1c: {  	s31 =	simm.s32 $0x40;
	[sflag:s17] =	ssyncadd.s32 @!p0 $0xFFFF8000  }
0x1d: {  	v1 =	vld [tilespmem:s31+$0xFFFFFFD0]  }
0x1e: {  	v9 =	vld.idx.msk [tilespmem:v0+s3+$0x0], $0xffff  }
0x1f: {  	v0 =	vld [tilespmem:s31+$0x30]  }
0x20: {  	v2 =	vld [tilespmem:s31+$0xFFFFFFE0]  }
0x21: {  	v3 =	vld [tilespmem:s31+$0xFFFFFFF0]  }
0x22: {  	v4 =	vld [tilespmem:s31+$0x0];
	_ =	sdelay $0x1  }
0x23: {  	v0 =	vsub.s32 v9, v0  }
0x24: {  	v1 =	vsub.s32 v9, v1;
	vm0 =	vgt.s32 v0, $0xFFFFFF80  }
0x25: {  	v2 =	vsub.s32 v9, v2;
	v3 =	vsub.s32 v9, v3;
	v0 =	vnsel vm0, $0xFFFFFF80, v0  }
0x26: {  	v5 =	vld [tilespmem:s31+$0x10];
	v4 =	vsub.s32 v9, v4;
	vm15 =	vgt.s32 v1, $0xFFFFFF80;
	vm0 =	vlt.s32 v0, $0x80  }
0x27: {  	v7 =	vld [tilespmem:s31+$0x20];
	vm1 =	vgt.s32 v2, $0xFFFFFF80;
	vm2 =	vgt.s32 v3, $0xFFFFFF80;
	v0 =	vnsel vm0, $0x80, v0  }
0x28: {  	v8 =	vld [tilespmem:s31+$0xFFFFFFC0];
	vm3 =	vgt.s32 v4, $0xFFFFFF80;
	v1 =	vnsel vm15, $0xFFFFFF80, v1;
	v0 =	vadd.s32 $0x80, v0  }
0x29: {  	v2 =	vnsel vm1, $0xFFFFFF80, v2;
	v3 =	vnsel vm2, $0xFFFFFF80, v3;
	v0 =	vshrl.u32 v0, $0x3  }
0x2a: {  	v4 =	vnsel vm3, $0xFFFFFF80, v4;
	vm10 =	vlt.s32 v1, $0x80;
	v6 =	vmin.u32 v0, $0x1F  }
0x2b: {  	vm11 =	vlt.s32 v2, $0x80;
	vm12 =	vlt.s32 v3, $0x80;
	vm13 =	vlt.s32 v4, $0x80  }
0x2c: {  	v1 =	vnsel vm10, $0x80, v1;
	v2 =	vnsel vm11, $0x80, v2;
	v3 =	vnsel vm12, $0x80, v3  }
0x2d: {  	v0 =	vsub.s32 v9, v5;
	v5 =	vsub.s32 v9, v7;
	v7 =	vsub.s32 v9, v8  }
0x2e: {  	[tilespmem:$0x1FFF0] =	vst v9;
	v4 =	vnsel vm13, $0x80, v4;
	v2 =	vadd.s32 $0x80, v2;
	vm6 =	vgt.s32 v7, $0xFFFFFF80  }
0x2f: {  	v4 =	vadd.s32 $0x80, v4;
	v2 =	vshrl.u32 v2, $0x3;
	v7 =	vnsel vm6, $0xFFFFFF80, v7;
	v8 =	vld.idx.msk [tilespmem:v6+s9+$0x0], $0xffff  }
0x30: {  	v4 =	vshrl.u32 v4, $0x3;
	v9 =	vor.u32 $0x20, v6;
	vm9 =	vlt.s32 v7, $0x80  }
0x31: {  	v4 =	vmin.u32 v4, $0x1F;
	vm5 =	vgt.s32 v5, $0xFFFFFF80;
	v7 =	vnsel vm9, $0x80, v7  }
0x32: {  	vm4 =	vgt.s32 v0, $0xFFFFFF80;
	v5 =	vnsel vm5, $0xFFFFFF80, v5;
	v7 =	vadd.s32 $0x80, v7  }
0x33: {  	s17 =	simm.s32 $0xA00;
	v0 =	vnsel vm4, $0xFFFFFF80, v0;
	vm15 =	vlt.s32 v5, $0x80;
	v7 =	vshrl.u32 v7, $0x3  }
0x34: {  	[tilespmem:s17+$0x70] =	vst v8;
	v8 =	vnsel vm15, $0x80, v5;
	v5 =	vadd.s32 $0x80, v1;
	v1 =	vmin.u32 v7, $0x1F  }
0x35: {  	v10 =	vadd.s32 $0x80, v3;
	v2 =	vmin.u32 v2, $0x1F;
	vm14 =	vlt.s32 v0, $0x80;
	v9 =	vld.idx.msk [tilespmem:v9+s9+$0x0], $0xffff  }
0x36: {  	v0 =	vnsel vm14, $0x80, v0;
	v7 =	vor.u32 $0x40, v6;
	v5 =	vshrl.u32 v5, $0x3  }
0x37: {  	v8 =	vadd.s32 $0x80, v8;
	v3 =	vmin.u32 v5, $0x1F;
	v5 =	vshrl.u32 v10, $0x3  }
0x38: {  	v0 =	vadd.s32 $0x80, v0;
	v15 =	vld.idx.msk [tilespmem:v4+s9+$0x0], $0xffff;
	v8 =	vshrl.u32 v8, $0x3;
	v5 =	vmin.u32 v5, $0x1F  }
0x39: {  	v0 =	vshrl.u32 v0, $0x3;
	v22 =	vmin.u32 v8, $0x1F;
	v10 =	vld.idx.msk [tilespmem:v1+s9+$0x0], $0xffff  }
0x3a: {  	v0 =	vmin.u32 v0, $0x1F;
	[tilespmem:s17+$0xF0] =	vst v9;
	v9 =	vld.idx.msk [tilespmem:v2+s9+$0x0], $0xffff  }
0x3b: {  	v12 =	vor.u32 $0x20, v1;
	v7 =	vld.idx.msk [tilespmem:v7+s9+$0x0], $0xffff  }
0x3c: {  	v11 =	vor.u32 $0x60, v6;
	v8 =	vld.idx.msk [tilespmem:v3+s9+$0x0], $0xffff  }
0x3d: {  	v14 =	vor.u32 $0x20, v3;
	v13 =	vld.idx.msk [tilespmem:v5+s9+$0x0], $0xffff  }
0x3e: {  	v16 =	vor.u32 $0x20, v2;
	[tilespmem:s17+$0x40] =	vst v15;
	v18 =	vld.idx.msk [tilespmem:v22+s9+$0x0], $0xffff  }
0x3f: {  	v17 =	vor.u32 $0x20, v5;
	[tilespmem:s17+$0x0] =	vst v10;
	v10 =	vld.idx.msk [tilespmem:v0+s9+$0x0], $0xffff  }
0x40: {  	v12 =	vld.idx.msk [tilespmem:v12+s9+$0x0], $0xffff;
	[tilespmem:s17+$0x170] =	vst v7;
	v7 =	vor.u32 $0x20, v4  }
0x41: {  	[tilespmem:s17+$0x10] =	vst v8;
	v8 =	vld.idx.msk [tilespmem:v11+s9+$0x0], $0xffff;
	v11 =	vor.u32 $0x20, v0  }
0x42: {  	[tilespmem:s17+$0x20] =	vst v9;
	v9 =	vld.idx.msk [tilespmem:v14+s9+$0x0], $0xffff;
	v14 =	vor.u32 $0x20, v22  }
0x43: {  	v15 =	vor.u32 $0x40, v1;
	v16 =	vld.idx.msk [tilespmem:v16+s9+$0x0], $0xffff;
	[tilespmem:s17+$0x30] =	vst v13  }
0x44: {  	v13 =	vor.u32 $0x80, v6;
	[tilespmem:s17+$0x60] =	vst v18;
	v17 =	vld.idx.msk [tilespmem:v17+s9+$0x0], $0xffff  }
0x45: {  	[tilespmem:s17+$0x50] =	vst v10;
	v7 =	vld.idx.msk [tilespmem:v7+s9+$0x0], $0xffff  }
0x46: {  	v18 =	vor.u32 $0x40, v2;
	[tilespmem:s17+$0x80] =	vst v12;
	v11 =	vld.idx.msk [tilespmem:v11+s9+$0x0], $0xffff  }
0x47: {  	v10 =	vor.u32 $0x40, v3;
	[tilespmem:s17+$0x90] =	vst v9;
	v9 =	vld.idx.msk [tilespmem:v14+s9+$0x0], $0xffff  }
0x48: {  	[tilespmem:s17+$0x1F0] =	vst v8;
	v8 =	vor.u32 $0x40, v5;
	v14 =	vld.idx.msk [tilespmem:v15+s9+$0x0], $0xffff  }
0x49: {  	v12 =	vld.idx.msk [tilespmem:v13+s9+$0x0], $0xffff;
	v13 =	vor.u32 $0x40, v4  }
0x4a: {  	[tilespmem:s17+$0xA0] =	vst v16;
	v16 =	vor.u32 $0x40, v0  }
0x4b: {  	v15 =	vor.u32 $0xA0, v6;
	v18 =	vld.idx.msk [tilespmem:v18+s9+$0x0], $0xffff;
	[tilespmem:s17+$0xB0] =	vst v17  }
0x4c: {  	v17 =	vor.u32 $0x40, v22;
	v10 =	vld.idx.msk [tilespmem:v10+s9+$0x0], $0xffff;
	[tilespmem:s17+$0xC0] =	vst v7  }
0x4d: {  	v7 =	vor.u32 $0x60, v1;
	v8 =	vld.idx.msk [tilespmem:v8+s9+$0x0], $0xffff;
	[tilespmem:s17+$0xD0] =	vst v11  }
0x4e: {  	v11 =	vor.u32 $0x60, v3;
	[tilespmem:s17+$0x100] =	vst v14;
	v13 =	vld.idx.msk [tilespmem:v13+s9+$0x0], $0xffff  }
0x4f: {  	[tilespmem:s17+$0x270] =	vst v12;
	v12 =	vor.u32 $0x60, v2;
	v14 =	vld.idx.msk [tilespmem:v16+s9+$0x0], $0xffff  }
0x50: {  	[tilespmem:s17+$0xE0] =	vst v9;
	v9 =	vld.idx.msk [tilespmem:v15+s9+$0x0], $0xffff;
	v15 =	vor.u32 $0x60, v5  }
0x51: {  	[tilespmem:s17+$0x110] =	vst v10;
	v10 =	vld.idx.msk [tilespmem:v17+s9+$0x0], $0xffff;
	v17 =	vor.u32 $0x60, v4  }
0x52: {  	[tilespmem:s17+$0x120] =	vst v18;
	v16 =	vor.u32 $0xC0, v6;
	v7 =	vld.idx.msk [tilespmem:v7+s9+$0x0], $0xffff  }
0x53: {  	v18 =	vor.u32 $0x60, v0;
	v11 =	vld.idx.msk [tilespmem:v11+s9+$0x0], $0xffff;
	[tilespmem:s17+$0x130] =	vst v8  }
0x54: {  	v8 =	vor.u32 $0x60, v22;
	v12 =	vld.idx.msk [tilespmem:v12+s9+$0x0], $0xffff;
	[tilespmem:s17+$0x140] =	vst v13  }
0x55: {  	v13 =	vor.u32 $0x80, v1;
	[tilespmem:s17+$0x150] =	vst v14;
	v15 =	vld.idx.msk [tilespmem:v15+s9+$0x0], $0xffff  }
0x56: {  	[tilespmem:s17+$0x2F0] =	vst v9;
	v9 =	vor.u32 $0x80, v3;
	v17 =	vld.idx.msk [tilespmem:v17+s9+$0x0], $0xffff  }
0x57: {  	[tilespmem:s17+$0x160] =	vst v10;
	v14 =	vld.idx.msk [tilespmem:v16+s9+$0x0], $0xffff;
	v16 =	vor.u32 $0x80, v2  }
0x58: {  	v10 =	vor.u32 $0xE0, v6;
	[tilespmem:s17+$0x180] =	vst v7;
	v7 =	vld.idx.msk [tilespmem:v18+s9+$0x0], $0xffff  }
0x59: {  	v18 =	vor.u32 $0x80, v5;
	[tilespmem:s17+$0x190] =	vst v11;
	v8 =	vld.idx.msk [tilespmem:v8+s9+$0x0], $0xffff  }
0x5a: {  	v11 =	vor.u32 $0x80, v4;
	v13 =	vld.idx.msk [tilespmem:v13+s9+$0x0], $0xffff;
	[tilespmem:s17+$0x1A0] =	vst v12  }
0x5b: {  	v12 =	vor.u32 $0x80, v0;
	v9 =	vld.idx.msk [tilespmem:v9+s9+$0x0], $0xffff;
	[tilespmem:s17+$0x1B0] =	vst v15  }
0x5c: {  	v15 =	vor.u32 $0x80, v22;
	v16 =	vld.idx.msk [tilespmem:v16+s9+$0x0], $0xffff;
	[tilespmem:s17+$0x370] =	vst v14  }
0x5d: {  	[tilespmem:s17+$0x1C0] =	vst v17;
	v14 =	vor.u32 $0xA0, v1;
	v10 =	vld.idx.msk [tilespmem:v10+s9+$0x0], $0xffff  }
0x5e: {  	v17 =	vor.u32 $0xA0, v3;
	v18 =	vld.idx.msk [tilespmem:v18+s9+$0x0], $0xffff;
	[tilespmem:s17+$0x1D0] =	vst v7  }
0x5f: {  	v7 =	vld.idx.msk [tilespmem:v11+s9+$0x0], $0xffff;
	[tilespmem:s17+$0x1E0] =	vst v8;
	v8 =	vor.u32 $0x100, v6  }
0x60: {  	v11 =	vor.u32 $0xA0, v2;
	[tilespmem:s17+$0x200] =	vst v13;
	v12 =	vld.idx.msk [tilespmem:v12+s9+$0x0], $0xffff  }
0x61: {  	v13 =	vor.u32 $0xA0, v5;
	[tilespmem:s17+$0x210] =	vst v9;
	v9 =	vld.idx.msk [tilespmem:v15+s9+$0x0], $0xffff  }
0x62: {  	v15 =	vor.u32 $0xA0, v4;
	v14 =	vld.idx.msk [tilespmem:v14+s9+$0x0], $0xffff;
	[tilespmem:s17+$0x220] =	vst v16  }
0x63: {  	v16 =	vor.u32 $0xA0, v0;
	v17 =	vld.idx.msk [tilespmem:v17+s9+$0x0], $0xffff;
	[tilespmem:s17+$0x3F0] =	vst v10  }
0x64: {  	v10 =	vor.u32 $0xA0, v22;
	[tilespmem:s17+$0x230] =	vst v18;
	v8 =	vld.idx.msk [tilespmem:v8+s9+$0x0], $0xffff  }
0x65: {  	v18 =	vor.u32 $0xC0, v1;
	v11 =	vld.idx.msk [tilespmem:v11+s9+$0x0], $0xffff;
	[tilespmem:s17+$0x240] =	vst v7  }
0x66: {  	v7 =	vld.idx.msk [tilespmem:v13+s9+$0x0], $0xffff;
	[tilespmem:s17+$0x250] =	vst v12;
	v12 =	vor.u32 $0x120, v6  }
0x67: {  	v13 =	vor.u32 $0xC0, v3;
	v15 =	vld.idx.msk [tilespmem:v15+s9+$0x0], $0xffff;
	[tilespmem:s17+$0x260] =	vst v9  }
0x68: {  	v9 =	vor.u32 $0xC0, v2;
	[tilespmem:s17+$0x280] =	vst v14;
	v14 =	vld.idx.msk [tilespmem:v16+s9+$0x0], $0xffff  }
0x69: {  	v16 =	vor.u32 $0xC0, v5;
	[tilespmem:s17+$0x290] =	vst v17;
	v10 =	vld.idx.msk [tilespmem:v10+s9+$0x0], $0xffff  }
0x6a: {  	v17 =	vor.u32 $0xC0, v4;
	v18 =	vld.idx.msk [tilespmem:v18+s9+$0x0], $0xffff;
	[tilespmem:s17+$0x4070] =	vst v8  }
0x6b: {  	v8 =	vor.u32 $0xC0, v0;
	[tilespmem:s17+$0x2A0] =	vst v11;
	v11 =	vld.idx.msk [tilespmem:v12+s9+$0x0], $0xffff  }
0x6c: {  	v12 =	vor.u32 $0xC0, v22;
	v13 =	vld.idx.msk [tilespmem:v13+s9+$0x0], $0xffff;
	[tilespmem:s17+$0x2B0] =	vst v7  }
0x6d: {  	v7 =	vld.idx.msk [tilespmem:v9+s9+$0x0], $0xffff;
	[tilespmem:s17+$0x2C0] =	vst v15;
	v9 =	vor.u32 $0x140, v6  }
0x6e: {  	v15 =	vor.u32 $0xE0, v1;
	v16 =	vld.idx.msk [tilespmem:v16+s9+$0x0], $0xffff;
	[tilespmem:s17+$0x2D0] =	vst v14  }
0x6f: {  	v14 =	vor.u32 $0xE0, v3;
	v17 =	vld.idx.msk [tilespmem:v17+s9+$0x0], $0xffff;
	[tilespmem:s17+$0x2E0] =	vst v10  }
0x70: {  	v10 =	vor.u32 $0xE0, v2;
	[tilespmem:s17+$0x300] =	vst v18;
	v8 =	vld.idx.msk [tilespmem:v8+s9+$0x0], $0xffff  }
0x71: {  	v18 =	vor.u32 $0xE0, v5;
	v12 =	vld.idx.msk [tilespmem:v12+s9+$0x0], $0xffff;
	[tilespmem:s17+$0x40F0] =	vst v11  }
0x72: {  	v11 =	vor.u32 $0xE0, v4;
	[tilespmem:s17+$0x310] =	vst v13;
	v9 =	vld.idx.msk [tilespmem:v9+s9+$0x0], $0xffff  }
0x73: {  	v13 =	vor.u32 $0xE0, v0;
	v15 =	vld.idx.msk [tilespmem:v15+s9+$0x0], $0xffff;
	[tilespmem:s17+$0x320] =	vst v7  }
0x74: {  	v7 =	vld.idx.msk [tilespmem:v14+s9+$0x0], $0xffff;
	[tilespmem:s17+$0x330] =	vst v16;
	v14 =	vor.u32 $0x160, v6  }
0x75: {  	v16 =	vor.u32 $0xE0, v22;
	[tilespmem:s17+$0x340] =	vst v17;
	v10 =	vld.idx.msk [tilespmem:v10+s9+$0x0], $0xffff  }
0x76: {  	v17 =	vor.u32 $0x100, v1;
	v18 =	vld.idx.msk [tilespmem:v18+s9+$0x0], $0xffff;
	[tilespmem:s17+$0x350] =	vst v8  }
0x77: {  	v8 =	vor.u32 $0x100, v3;
	v11 =	vld.idx.msk [tilespmem:v11+s9+$0x0], $0xffff;
	[tilespmem:s17+$0x360] =	vst v12  }
0x78: {  	v12 =	vor.u32 $0x100, v2;
	v13 =	vld.idx.msk [tilespmem:v13+s9+$0x0], $0xffff;
	[tilespmem:s17+$0x4170] =	vst v9  }
0x79: {  	v9 =	vor.u32 $0x100, v5;
	[tilespmem:s17+$0x380] =	vst v15;
	v14 =	vld.idx.msk [tilespmem:v14+s9+$0x0], $0xffff  }
0x7a: {  	v15 =	vor.u32 $0x100, v4;
	[tilespmem:s17+$0x390] =	vst v7;
	v7 =	vld.idx.msk [tilespmem:v16+s9+$0x0], $0xffff  }
0x7b: {  	v16 =	vld.idx.msk [tilespmem:v17+s9+$0x0], $0xffff;
	v17 =	vor.u32 $0x100, v0;
	[tilespmem:s17+$0x3A0] =	vst v10  }
0x7c: {  	v10 =	vor.u32 $0x180, v6;
	[tilespmem:s17+$0x3B0] =	vst v18;
	v8 =	vld.idx.msk [tilespmem:v8+s9+$0x0], $0xffff  }
0x7d: {  	v18 =	vor.u32 $0x100, v22;
	v12 =	vld.idx.msk [tilespmem:v12+s9+$0x0], $0xffff;
	[tilespmem:s17+$0x3C0] =	vst v11  }
0x7e: {  	v11 =	vor.u32 $0x120, v1;
	[tilespmem:s17+$0x3D0] =	vst v13;
	v9 =	vld.idx.msk [tilespmem:v9+s9+$0x0], $0xffff  }
0x7f: {  	v13 =	vor.u32 $0x120, v3;
	v15 =	vld.idx.msk [tilespmem:v15+s9+$0x0], $0xffff;
	[tilespmem:s17+$0x41F0] =	vst v14  }
0x80: {  	v14 =	vor.u32 $0x120, v2;
	[tilespmem:s17+$0x4000] =	vst v16;
	v16 =	vld.idx.msk [tilespmem:v17+s9+$0x0], $0xffff  }
0x81: {  	[tilespmem:s17+$0x3E0] =	vst v7;
	v7 =	vld.idx.msk [tilespmem:v10+s9+$0x0], $0xffff;
	v10 =	vor.u32 $0x120, v5  }
0x82: {  	v17 =	vor.u32 $0x1A0, v6;
	[tilespmem:s17+$0x4010] =	vst v8;
	v8 =	vld.idx.msk [tilespmem:v18+s9+$0x0], $0xffff  }
0x83: {  	v18 =	vor.u32 $0x120, v4;
	v11 =	vld.idx.msk [tilespmem:v11+s9+$0x0], $0xffff;
	[tilespmem:s17+$0x4020] =	vst v12  }
0x84: {  	v12 =	vor.u32 $0x120, v0;
	v13 =	vld.idx.msk [tilespmem:v13+s9+$0x0], $0xffff;
	[tilespmem:s17+$0x4030] =	vst v9  }
0x85: {  	v9 =	vor.u32 $0x120, v22;
	[tilespmem:s17+$0x4040] =	vst v15;
	v14 =	vld.idx.msk [tilespmem:v14+s9+$0x0], $0xffff  }
0x86: {  	v15 =	vor.u32 $0x140, v1;
	v10 =	vld.idx.msk [tilespmem:v10+s9+$0x0], $0xffff;
	[tilespmem:s17+$0x4270] =	vst v7  }
0x87: {  	[tilespmem:s17+$0x4050] =	vst v16;
	v7 =	vor.u32 $0x140, v3;
	v16 =	vld.idx.msk [tilespmem:v17+s9+$0x0], $0xffff  }
0x88: {  	v17 =	vor.u32 $0x140, v2;
	v18 =	vld.idx.msk [tilespmem:v18+s9+$0x0], $0xffff;
	[tilespmem:s17+$0x4060] =	vst v8  }
0x89: {  	[tilespmem:s17+$0x4080] =	vst v11;
	v8 =	vld.idx.msk [tilespmem:v12+s9+$0x0], $0xffff;
	v11 =	vor.u32 $0x1C0, v6  }
0x8a: {  	v12 =	vor.u32 $0x140, v5;
	[tilespmem:s17+$0x4090] =	vst v13;
	v9 =	vld.idx.msk [tilespmem:v9+s9+$0x0], $0xffff  }
0x8b: {  	v13 =	vor.u32 $0x140, v4;
	v15 =	vld.idx.msk [tilespmem:v15+s9+$0x0], $0xffff;
	[tilespmem:s17+$0x40A0] =	vst v14  }
0x8c: {  	v14 =	vor.u32 $0x140, v0;
	v7 =	vld.idx.msk [tilespmem:v7+s9+$0x0], $0xffff;
	[tilespmem:s17+$0x40B0] =	vst v10  }
0x8d: {  	v10 =	vor.u32 $0x140, v22;
	v17 =	vld.idx.msk [tilespmem:v17+s9+$0x0], $0xffff;
	[tilespmem:s17+$0x42F0] =	vst v16  }
0x8e: {  	v16 =	vor.u32 $0x160, v1;
	[tilespmem:s17+$0x40C0] =	vst v18;
	v11 =	vld.idx.msk [tilespmem:v11+s9+$0x0], $0xffff  }
0x8f: {  	v18 =	vor.u32 $0x160, v3;
	v12 =	vld.idx.msk [tilespmem:v12+s9+$0x0], $0xffff;
	[tilespmem:s17+$0x40D0] =	vst v8  }
0x90: {  	v6 =	vor.u32 $0x1E0, v6;
	v8 =	vld.idx.msk [tilespmem:v13+s9+$0x0], $0xffff;
	[tilespmem:s17+$0x40E0] =	vst v9  }
0x91: {  	v9 =	vor.u32 $0x160, v2;
	[tilespmem:s17+$0x4100] =	vst v15;
	v13 =	vld.idx.msk [tilespmem:v14+s9+$0x0], $0xffff  }
0x92: {  	v14 =	vor.u32 $0x160, v5;
	[tilespmem:s17+$0x4110] =	vst v7;
	v7 =	vld.idx.msk [tilespmem:v10+s9+$0x0], $0xffff  }
0x93: {  	v10 =	vor.u32 $0x160, v4;
	v15 =	vld.idx.msk [tilespmem:v16+s9+$0x0], $0xffff;
	[tilespmem:s17+$0x4120] =	vst v17  }
0x94: {  	v16 =	vor.u32 $0x160, v0;
	v17 =	vld.idx.msk [tilespmem:v18+s9+$0x0], $0xffff;
	[tilespmem:s17+$0x4370] =	vst v11  }
0x95: {  	v11 =	vor.u32 $0x160, v22;
	[tilespmem:s17+$0x4130] =	vst v12;
	v6 =	vld.idx.msk [tilespmem:v6+s9+$0x0], $0xffff  }
0x96: {  	v12 =	vor.u32 $0x180, v1;
	[tilespmem:s17+$0x4140] =	vst v8;
	v9 =	vld.idx.msk [tilespmem:v9+s9+$0x0], $0xffff  }
0x97: {  	v8 =	vor.u32 $0x180, v3;
	v18 =	vld.idx.msk [tilespmem:v14+s9+$0x0], $0xffff;
	[tilespmem:s17+$0x4150] =	vst v13  }
0x98: {  	v13 =	vor.u32 $0x180, v2;
	v10 =	vld.idx.msk [tilespmem:v10+s9+$0x0], $0xffff;
	[tilespmem:s17+$0x4160] =	vst v7  }
0x99: {  	v7 =	vor.u32 $0x180, v5;
	[tilespmem:s17+$0x4180] =	vst v15;
	v25 =	vld.idx.msk [tilespmem:v16+s9+$0x0], $0xffff  }
0x9a: {  	v26 =	vor.u32 $0x180, v4;
	[tilespmem:s17+$0x4190] =	vst v17;
	v27 =	vld.idx.msk [tilespmem:v11+s9+$0x0], $0xffff  }
0x9b: {  	v21 =	vor.u32 $0x1A0, v2;
	v28 =	vor.u32 $0x180, v0;
	v30 =	vld.idx.msk [tilespmem:v12+s9+$0x0], $0xffff;
	[tilespmem:s17+$0x43F0] =	vst v6  }
0x9c: {  	v48 =	vor.u32 $0x1E0, v4;
	v29 =	vor.u32 $0x1A0, v1;
	v31 =	vor.u32 $0x180, v22;
	v32 =	vld.idx.msk [tilespmem:v8+s9+$0x0], $0xffff;
	[tilespmem:s17+$0x41A0] =	vst v9  }
0x9d: {  	v20 =	vor.u32 $0x1A0, v3;
	v19 =	vor.u32 $0x1A0, v5;
	v49 =	vor.u32 $0x1C0, v5;
	v23 =	vld.idx.msk [tilespmem:v13+s9+$0x0], $0xffff;
	[tilespmem:s17+$0x41B0] =	vst v18  }
0x9e: {  	v14 =	vor.u32 $0x1C0, v1;
	v5 =	vor.u32 $0x1E0, v5;
	v17 =	vor.u32 $0x1A0, v4;
	v24 =	vld.idx.msk [tilespmem:v7+s9+$0x0], $0xffff;
	[tilespmem:s17+$0x41C0] =	vst v10  }
0x9f: {  	v16 =	vor.u32 $0x1A0, v22;
	v15 =	vor.u32 $0x1C0, v3;
	v11 =	vor.u32 $0x1C0, v4;
	[tilespmem:s17+$0x41D0] =	vst v25;
	v25 =	vld.idx.msk [tilespmem:v26+s9+$0x0], $0xffff  }
0xa0: {  	v8 =	vor.u32 $0x1E0, v1;
	v9 =	vor.u32 $0x1C0, v0;
	v6 =	vor.u32 $0x1E0, v2;
	[tilespmem:s17+$0x41E0] =	vst v27;
	v1 =	vld.idx.msk [tilespmem:v28+s9+$0x0], $0xffff  }
0xa1: {  	v18 =	vor.u32 $0x1A0, v0;
	v13 =	vor.u32 $0x1C0, v2;
	v7 =	vor.u32 $0x1E0, v3;
	[tilespmem:s17+$0x4200] =	vst v30;
	v26 =	vld.idx.msk [tilespmem:v31+s9+$0x0], $0xffff  }
0xa2: {  	s19 =	simm.s32 $0x0;
	s20 =	simm.s32 $0xC0;
	s18 =	simm.s32 $0xA00;
	v3 =	vor.u32 $0x1E0, v0;
	v30 =	vor.u32 $0x1C0, v22;
	[tilespmem:s17+$0x4210] =	vst v32;
	v32 =	vor.u32 $0x1E0, v22;
	v0 =	vld.idx.msk [tilespmem:v29+s9+$0x0], $0xffff  }
.LBB2_3:
0xa3: {  	v22 =	vld [tilespmem:s20+$0x30]  }
0xa4: {  	[tilespmem:s17+$0x4220] =	vst v23;
	v23 =	vld [tilespmem:s20+$0xFFFFFFD0]  }
0xa5: {  	v2 =	vld [tilespmem:$0x1FFF0]  }
0xa6: {  	v20 =	vld.idx.msk [tilespmem:v20+s9+$0x0], $0xffff  }
0xa7: {  	[tilespmem:s17+$0x4230] =	vst v24;
	v24 =	vld [tilespmem:s20+$0xFFFFFFE0]  }
0xa8: {  	[tilespmem:s17+$0x4240] =	vst v25;
	v25 =	vld [tilespmem:s20+$0xFFFFFFF0]  }
0xa9: {  	[tilespmem:s17+$0x4250] =	vst v1;
	v1 =	vld [tilespmem:s20+$0x0]  }
0xaa: {  	[tilespmem:s17+$0x4260] =	vst v26;
	v26 =	vld [tilespmem:s20+$0x10]  }
0xab: {  	v21 =	vld.idx.msk [tilespmem:v21+s9+$0x0], $0xffff  }
0xac: {  	v19 =	vld.idx.msk [tilespmem:v19+s9+$0x0], $0xffff  }
0xad: {  	v17 =	vld.idx.msk [tilespmem:v17+s9+$0x0], $0xffff  }
0xae: {  	v18 =	vld.idx.msk [tilespmem:v18+s9+$0x0], $0xffff;
	[tilespmem:s17+$0x4280] =	vst v0;
	v22 =	vsub.s32 v2, v22;
	v0 =	vsub.s32 v2, v23  }
0xaf: {  	v16 =	vld.idx.msk [tilespmem:v16+s9+$0x0], $0xffff;
	vm0 =	vgt.s32 v22, $0xFFFFFF80;
	vm1 =	vgt.s32 v0, $0xFFFFFF80  }
0xb0: {  	v23 =	vld [tilespmem:s20+$0x20];
	v24 =	vsub.s32 v2, v24;
	v25 =	vsub.s32 v2, v25;
	v28 =	vsub.s32 v2, v1  }
0xb1: {  	v27 =	vld [tilespmem:s20+$0xFFFFFFC0];
	[tilespmem:s17+$0x4290] =	vst v20;
	v22 =	vnsel vm0, $0xFFFFFF80, v22;
	vm9 =	vgt.s32 v24, $0xFFFFFF80;
	vm3 =	vgt.s32 v25, $0xFFFFFF80  }
0xb2: {  	v14 =	vld.idx.msk [tilespmem:v14+s9+$0x0], $0xffff;
	[tilespmem:s17+$0x42A0] =	vst v21;
	vm10 =	vgt.s32 v28, $0xFFFFFF80;
	v0 =	vnsel vm1, $0xFFFFFF80, v0;
	vm2 =	vlt.s32 v22, $0x80  }
0xb3: {  	v15 =	vld.idx.msk [tilespmem:v15+s9+$0x0], $0xffff;
	[tilespmem:s17+$0x42B0] =	vst v19;
	v24 =	vnsel vm9, $0xFFFFFF80, v24;
	v25 =	vnsel vm3, $0xFFFFFF80, v25;
	vm1 =	vlt.s32 v0, $0x80  }
0xb4: {  	[tilespmem:s17+$0x42C0] =	vst v17;
	v13 =	vld.idx.msk [tilespmem:v13+s9+$0x0], $0xffff;
	v1 =	vnsel vm2, $0x80, v22;
	v22 =	vsub.s32 v2, v26;
	vm12 =	vlt.s32 v24, $0x80  }
0xb5: {  	[tilespmem:s17+$0x42D0] =	vst v18;
	v12 =	vld.idx.msk [tilespmem:v49+s9+$0x0], $0xffff;
	vm3 =	vlt.s32 v25, $0x80;
	v0 =	vnsel vm1, $0x80, v0;
	v1 =	vadd.s32 $0x80, v1  }
0xb6: {  	[tilespmem:s17+$0x42E0] =	vst v16;
	v11 =	vld.idx.msk [tilespmem:v11+s9+$0x0], $0xffff;
	vm4 =	vgt.s32 v22, $0xFFFFFF80;
	v23 =	vsub.s32 v2, v23;
	v26 =	vsub.s32 v2, v27  }
0xb7: {  	v9 =	vld.idx.msk [tilespmem:v9+s9+$0x0], $0xffff;
	v27 =	vnsel vm10, $0xFFFFFF80, v28;
	v21 =	vnsel vm12, $0x80, v24;
	v18 =	vnsel vm3, $0x80, v25;
	[tilespmem:s17+$0x4300] =	vst v14  }
0xb8: {  	v10 =	vld.idx.msk [tilespmem:v30+s9+$0x0], $0xffff;
	v0 =	vadd.s32 $0x80, v0;
	v1 =	vshrl.u32 v1, $0x3;
	vm5 =	vgt.s32 v23, $0xFFFFFF80;
	[tilespmem:s17+$0x4310] =	vst v15  }
0xb9: {  	vm6 =	vgt.s32 v26, $0xFFFFFF80;
	v20 =	vnsel vm4, $0xFFFFFF80, v22;
	v14 =	vadd.s32 $0x80, v21;
	v21 =	vld.idx.msk [tilespmem:v8+s9+$0x0], $0xffff;
	[tilespmem:s18+$0x4320] =	vst v13  }
0xba: {  	vm13 =	vlt.s32 v27, $0x80;
	v0 =	vshrl.u32 v0, $0x3;
	v13 =	vshrl.u32 v14, $0x3;
	v14 =	vld.idx.msk [tilespmem:v7+s9+$0x0], $0xffff;
	[tilespmem:s18+$0x4330] =	vst v12  }
0xbb: {  	v1 =	vmin.u32 v1, $0x1F;
	v26 =	vnsel vm6, $0xFFFFFF80, v26;
	v22 =	vnsel vm5, $0xFFFFFF80, v23;
	[tilespmem:s18+$0x4340] =	vst v11;
	v12 =	vld.idx.msk [tilespmem:v6+s9+$0x0], $0xffff  }
0xbc: {  	vm14 =	vlt.s32 v20, $0x80;
	v7 =	vmin.u32 v0, $0x1F;
	[tilespmem:s18+$0x4350] =	vst v9;
	vm11 =	vlt.s32 v26, $0x80;
	v5 =	vld.idx.msk [tilespmem:v5+s9+$0x0], $0xffff  }
0xbd: {  	[tilespmem:s18+$0x4360] =	vst v10;
	vm15 =	vlt.s32 v22, $0x80;
	v6 =	vmin.u32 v13, $0x1F;
	v3 =	vld.idx.msk [tilespmem:v3+s9+$0x0], $0xffff;
	v17 =	vnsel vm11, $0x80, v26  }
0xbe: {  	v16 =	vadd.s32 $0x80, v17;
	v17 =	vnsel vm14, $0x80, v20;
	v20 =	vnsel vm15, $0x80, v22;
	[tilespmem:s18+$0x4380] =	vst v21  }
0xbf: {  	v18 =	vadd.s32 $0x80, v18;
	v22 =	vld.idx.msk [tilespmem:v32+s9+$0x0], $0xffff;
	v20 =	vadd.s32 $0x80, v20;
	v8 =	vshrl.u32 v16, $0x3;
	[tilespmem:s18+$0x4390] =	vst v14  }
0xc0: {  	v16 =	vshrl.u32 v18, $0x3;
	v19 =	vld.idx.msk [tilespmem:v1+s9+$0x0], $0xffff;
	v8 =	vmin.u32 v8, $0x1F;
	v0 =	vshrl.u32 v20, $0x3;
	[tilespmem:s18+$0x43A0] =	vst v12  }
0xc1: {  	v17 =	vadd.s32 $0x80, v17;
	v52 =	vmin.u32 v16, $0x1F;
	v54 =	vmin.u32 v0, $0x1F;
	v0 =	vld.idx.msk [tilespmem:v48+s9+$0x0], $0xffff;
	[tilespmem:s18+$0x43B0] =	vst v5  }
0xc2: {  	v24 =	vor.u32 $0x20, v1;
	v17 =	vshrl.u32 v17, $0x3;
	v25 =	vld.idx.msk [tilespmem:v7+s9+$0x0], $0xffff;
	[tilespmem:s18+$0x43D0] =	vst v3;
	v2 =	vor.u32 $0x120, v8  }
0xc3: {  	v23 =	vnsel vm13, $0x80, v27;
	v53 =	vmin.u32 v17, $0x1F;
	v26 =	vld.idx.msk [tilespmem:v6+s9+$0x0], $0xffff;
	[tilespmem:$0x1FE20] =	vst v2  }
0xc4: {  	s17 =	sadd.s32 $0x400, s17;
	v15 =	vadd.s32 $0x80, v23;
	[tilespmem:s18+$0x43E0] =	vst v22  }
0xc5: {  	v15 =	vshrl.u32 v15, $0x3;
	v17 =	vor.u32 $0x20, v7;
	[tilespmem:s17+$0x70] =	vst v19;
	v23 =	vld.idx.msk [tilespmem:v8+s9+$0x0], $0xffff  }
0xc6: {  	v56 =	vmin.u32 v15, $0x1F;
	v28 =	vld.idx.msk [tilespmem:v52+s9+$0x0], $0xffff;
	[tilespmem:s18+$0x43C0] =	vst v0  }
0xc7: {  	v18 =	vld.idx.msk [tilespmem:v24+s9+$0x0], $0xffff;
	[tilespmem:s17+$0x10] =	vst v25  }
0xc8: {  	v19 =	vor.u32 $0x20, v6;
	v22 =	vld.idx.msk [tilespmem:v53+s9+$0x0], $0xffff;
	v0 =	vor.u32 $0x100, v53;
	[tilespmem:s17+$0x20] =	vst v26  }
0xc9: {  	v16 =	vor.u32 $0x20, v8;
	v50 =	vld.idx.msk [tilespmem:v54+s9+$0x0], $0xffff;
	[tilespmem:$0x1FE10] =	vst v0  }
0xca: {  	v20 =	vor.u32 $0x20, v52;
	v17 =	vld.idx.msk [tilespmem:v17+s9+$0x0], $0xffff;
	[tilespmem:s17+$0x0] =	vst v23  }
0xcb: {  	v48 =	vor.u32 $0x40, v7;
	v29 =	vld.idx.msk [tilespmem:v56+s9+$0x0], $0xffff;
	[tilespmem:s17+$0x30] =	vst v28  }
0xcc: {  	v11 =	vor.u32 $0x40, v1;
	[tilespmem:s17+$0xF0] =	vst v18  }
0xcd: {  	v19 =	vld.idx.msk [tilespmem:v19+s9+$0x0], $0xffff;
	[tilespmem:s17+$0x50] =	vst v22  }
0xce: {  	v46 =	vor.u32 $0x20, v53;
	v16 =	vld.idx.msk [tilespmem:v16+s9+$0x0], $0xffff;
	[tilespmem:s17+$0x60] =	vst v50  }
0xcf: {  	v49 =	vor.u32 $0x20, v54;
	v20 =	vld.idx.msk [tilespmem:v20+s9+$0x0], $0xffff;
	[tilespmem:s17+$0x90] =	vst v17  }
0xd0: {  	v21 =	vor.u32 $0x20, v56;
	[tilespmem:s17+$0x40] =	vst v29;
	v2 =	vld.idx.msk [tilespmem:v48+s9+$0x0], $0xffff;
	v48 =	vor.u32 $0x120, v7  }
0xd1: {  	v24 =	vld.idx.msk [tilespmem:v11+s9+$0x0], $0xffff;
	[tilespmem:$0x1FE30] =	vst v48  }
0xd2: {  	v48 =	vor.u32 $0x120, v6;
	[tilespmem:s17+$0xA0] =	vst v19  }
0xd3: {  	v3 =	vld.idx.msk [tilespmem:v46+s9+$0x0], $0xffff;
	[tilespmem:$0x1FE40] =	vst v48  }
0xd4: {  	v17 =	vld.idx.msk [tilespmem:v49+s9+$0x0], $0xffff;
	[tilespmem:s17+$0x80] =	vst v16  }
0xd5: {  	v21 =	vld.idx.msk [tilespmem:v21+s9+$0x0], $0xffff;
	[tilespmem:s17+$0xB0] =	vst v20  }
0xd6: {  	v20 =	vor.u32 $0x120, v52;
	[tilespmem:s17+$0x170] =	vst v24  }
0xd7: {  	[tilespmem:$0x1FE50] =	vst v20  }
0xd8: {  	[tilespmem:s17+$0xD0] =	vst v3  }
0xd9: {  	[tilespmem:s17+$0xE0] =	vst v17  }
0xda: {  	v18 =	vor.u32 $0x40, v6;
	v20 =	vor.u32 $0x120, v56;
	[tilespmem:s17+$0xC0] =	vst v21  }
0xdb: {  	v4 =	vor.u32 $0x40, v56;
	v3 =	vor.u32 $0x140, v52;
	[tilespmem:$0x1FE60] =	vst v20  }
0xdc: {  	[tilespmem:$0x1FEC0] =	vst v3  }
0xdd: {  	v47 =	vor.u32 $0x40, v8;
	v20 =	vor.u32 $0x120, v53;
	[tilespmem:s17+$0x110] =	vst v2  }
0xde: {  	v27 =	vor.u32 $0x60, v1;
	v2 =	vor.u32 $0x160, v53;
	[tilespmem:$0x1FE70] =	vst v20  }
0xdf: {  	v18 =	vld.idx.msk [tilespmem:v18+s9+$0x0], $0xffff;
	v20 =	vor.u32 $0x120, v54;
	[tilespmem:$0x1FF50] =	vst v2  }
0xe0: {  	v3 =	vld.idx.msk [tilespmem:v4+s9+$0x0], $0xffff;
	v4 =	vor.u32 $0x140, v56;
	[tilespmem:$0x1FE80] =	vst v20  }
0xe1: {  	v20 =	vor.u32 $0x140, v8;
	[tilespmem:$0x1FED0] =	vst v4  }
0xe2: {  	v0 =	vld.idx.msk [tilespmem:v47+s9+$0x0], $0xffff;
	v4 =	vor.u32 $0x140, v53;
	[tilespmem:$0x1FE90] =	vst v20  }
0xe3: {  	v51 =	vld.idx.msk [tilespmem:v27+s9+$0x0], $0xffff;
	[tilespmem:$0x1FEE0] =	vst v4  }
0xe4: {  	v20 =	vor.u32 $0x140, v7;
	[tilespmem:s17+$0x120] =	vst v18  }
0xe5: {  	v4 =	vor.u32 $0x160, v8;
	[tilespmem:$0x1FEA0] =	vst v20  }
0xe6: {  	[tilespmem:$0x1FF00] =	vst v4  }
0xe7: {  	v45 =	vor.u32 $0x40, v52;
	[tilespmem:s17+$0x100] =	vst v0  }
0xe8: {  	v12 =	vor.u32 $0x60, v8;
	v20 =	vor.u32 $0x140, v6;
	[tilespmem:s17+$0x1F0] =	vst v51  }
0xe9: {  	v55 =	vor.u32 $0x80, v1;
	v4 =	vor.u32 $0x160, v7;
	[tilespmem:$0x1FEB0] =	vst v20  }
0xea: {  	v0 =	vor.u32 $0x160, v6;
	[tilespmem:$0x1FF10] =	vst v4  }
0xeb: {  	v10 =	vor.u32 $0x60, v6;
	v4 =	vor.u32 $0x140, v54;
	[tilespmem:$0x1FF20] =	vst v0  }
0xec: {  	v20 =	vld.idx.msk [tilespmem:v45+s9+$0x0], $0xffff;
	v0 =	vor.u32 $0x160, v52;
	[tilespmem:$0x1FEF0] =	vst v4  }
0xed: {  	v14 =	vor.u32 $0x40, v54;
	v45 =	vld.idx.msk [tilespmem:v12+s9+$0x0], $0xffff;
	v12 =	vor.u32 $0x180, v8;
	[tilespmem:$0x1FF30] =	vst v0  }
0xee: {  	v15 =	vor.u32 $0x40, v53;
	v16 =	vld.idx.msk [tilespmem:v55+s9+$0x0], $0xffff;
	[tilespmem:$0x1FF70] =	vst v12  }
0xef: {  	v19 =	vor.u32 $0xA0, v1;
	v0 =	vor.u32 $0x160, v56;
	[tilespmem:s17+$0x140] =	vst v3  }
0xf0: {  	v13 =	vor.u32 $0x60, v7;
	v10 =	vld.idx.msk [tilespmem:v10+s9+$0x0], $0xffff;
	v12 =	vor.u32 $0x180, v7;
	[tilespmem:$0x1FF40] =	vst v0  }
0xf1: {  	v44 =	vor.u32 $0x80, v6;
	v3 =	vor.u32 $0x180, v54;
	[tilespmem:$0x1FF80] =	vst v12  }
0xf2: {  	v11 =	vor.u32 $0x60, v52;
	v2 =	vld.idx.msk [tilespmem:v14+s9+$0x0], $0xffff;
	[tilespmem:$0x1FFD0] =	vst v3  }
0xf3: {  	v31 =	vor.u32 $0x80, v8;
	v0 =	vld.idx.msk [tilespmem:v15+s9+$0x0], $0xffff;
	v12 =	vor.u32 $0x180, v6;
	[tilespmem:s17+$0x270] =	vst v16  }
0xf4: {  	v5 =	vor.u32 $0x60, v53;
	[tilespmem:$0x1FF90] =	vst v12;
	v4 =	vld.idx.msk [tilespmem:v19+s9+$0x0], $0xffff  }
0xf5: {  	v15 =	vor.u32 $0xC0, v1;
	v12 =	vld.idx.msk [tilespmem:v13+s9+$0x0], $0xffff;
	[tilespmem:s17+$0x1A0] =	vst v10  }
0xf6: {  	v30 =	vor.u32 $0x60, v54;
	[tilespmem:s17+$0x130] =	vst v20;
	v44 =	vld.idx.msk [tilespmem:v44+s9+$0x0], $0xffff  }
0xf7: {  	v9 =	vor.u32 $0x60, v56;
	[tilespmem:s17+$0x180] =	vst v45;
	v3 =	vld.idx.msk [tilespmem:v11+s9+$0x0], $0xffff  }
0xf8: {  	v32 =	vor.u32 $0x80, v7;
	v31 =	vld.idx.msk [tilespmem:v31+s9+$0x0], $0xffff;
	[tilespmem:s17+$0x150] =	vst v0  }
0xf9: {  	v38 =	vor.u32 $0xA0, v8;
	v45 =	vld.idx.msk [tilespmem:v5+s9+$0x0], $0xffff;
	[tilespmem:s17+$0x2F0] =	vst v4  }
0xfa: {  	v41 =	vor.u32 $0x80, v53;
	[tilespmem:s17+$0x160] =	vst v2;
	v0 =	vld.idx.msk [tilespmem:v15+s9+$0x0], $0xffff  }
0xfb: {  	v2 =	vor.u32 $0xE0, v1;
	[tilespmem:s17+$0x190] =	vst v12;
	v12 =	vld.idx.msk [tilespmem:v30+s9+$0x0], $0xffff  }
0xfc: {  	v43 =	vor.u32 $0x80, v52;
	[tilespmem:s17+$0x220] =	vst v44;
	v4 =	vld.idx.msk [tilespmem:v9+s9+$0x0], $0xffff  }
0xfd: {  	v42 =	vor.u32 $0x80, v56;
	v10 =	vld.idx.msk [tilespmem:v32+s9+$0x0], $0xffff;
	[tilespmem:s17+$0x200] =	vst v31  }
0xfe: {  	v40 =	vor.u32 $0x80, v54;
	v38 =	vld.idx.msk [tilespmem:v38+s9+$0x0], $0xffff;
	[tilespmem:s17+$0x1D0] =	vst v45  }
0xff: {  	v39 =	vor.u32 $0xA0, v7;
	v31 =	vld.idx.msk [tilespmem:v41+s9+$0x0], $0xffff;
	[tilespmem:s17+$0x370] =	vst v0  }
0x100: {  	v23 =	vor.u32 $0xC0, v8;
	[tilespmem:s17+$0x1B0] =	vst v3;
	v0 =	vld.idx.msk [tilespmem:v2+s9+$0x0], $0xffff  }
0x101: {  	v37 =	vor.u32 $0xA0, v6;
	[tilespmem:s17+$0x1C0] =	vst v4;
	v2 =	vld.idx.msk [tilespmem:v43+s9+$0x0], $0xffff  }
0x102: {  	v35 =	vor.u32 $0xA0, v52;
	[tilespmem:s17+$0x1E0] =	vst v12;
	v4 =	vld.idx.msk [tilespmem:v42+s9+$0x0], $0xffff  }
0x103: {  	v36 =	vor.u32 $0xA0, v56;
	[tilespmem:s17+$0x210] =	vst v10;
	v10 =	vld.idx.msk [tilespmem:v40+s9+$0x0], $0xffff  }
0x104: {  	v34 =	vor.u32 $0xA0, v53;
	v39 =	vld.idx.msk [tilespmem:v39+s9+$0x0], $0xffff;
	[tilespmem:s17+$0x280] =	vst v38  }
0x105: {  	v33 =	vor.u32 $0xA0, v54;
	v23 =	vld.idx.msk [tilespmem:v23+s9+$0x0], $0xffff;
	[tilespmem:s17+$0x250] =	vst v31  }
0x106: {  	v12 =	vor.u32 $0x100, v1;
	[tilespmem:s17+$0x230] =	vst v2;
	v2 =	vld.idx.msk [tilespmem:v37+s9+$0x0], $0xffff  }
0x107: {  	v24 =	vor.u32 $0xC0, v6;
	[tilespmem:s17+$0x240] =	vst v4;
	v4 =	vld.idx.msk [tilespmem:v35+s9+$0x0], $0xffff  }
0x108: {  	v28 =	vor.u32 $0xC0, v52;
	[tilespmem:s17+$0x260] =	vst v10;
	v31 =	vld.idx.msk [tilespmem:v36+s9+$0x0], $0xffff  }
0x109: {  	v26 =	vor.u32 $0xC0, v56;
	v10 =	vld.idx.msk [tilespmem:v34+s9+$0x0], $0xffff;
	[tilespmem:s17+$0x290] =	vst v39  }
0x10a: {  	v29 =	vor.u32 $0xC0, v53;
	v33 =	vld.idx.msk [tilespmem:v33+s9+$0x0], $0xffff;
	[tilespmem:s17+$0x3F0] =	vst v0  }
0x10b: {  	v25 =	vor.u32 $0xC0, v7;
	v0 =	vld.idx.msk [tilespmem:v12+s9+$0x0], $0xffff;
	[tilespmem:s17+$0x2A0] =	vst v2  }
0x10c: {  	v27 =	vor.u32 $0xC0, v54;
	[tilespmem:s17+$0x2B0] =	vst v4;
	v4 =	vld.idx.msk [tilespmem:v24+s9+$0x0], $0xffff  }
0x10d: {  	v12 =	vor.u32 $0x120, v1;
	[tilespmem:s17+$0x2C0] =	vst v31;
	v24 =	vld.idx.msk [tilespmem:v28+s9+$0x0], $0xffff  }
0x10e: {  	v63 =	vor.u32 $0xE0, v52;
	[tilespmem:s17+$0x2D0] =	vst v10;
	v10 =	vld.idx.msk [tilespmem:v26+s9+$0x0], $0xffff  }
0x10f: {  	v50 =	vor.u32 $0xE0, v56;
	[tilespmem:s17+$0x300] =	vst v23;
	v23 =	vld.idx.msk [tilespmem:v29+s9+$0x0], $0xffff  }
0x110: {  	v57 =	vor.u32 $0xE0, v8;
	[tilespmem:s17+$0x2E0] =	vst v33;
	v2 =	vld.idx.msk [tilespmem:v25+s9+$0x0], $0xffff  }
0x111: {  	v22 =	vor.u32 $0xE0, v7;
	v25 =	vld.idx.msk [tilespmem:v27+s9+$0x0], $0xffff;
	[tilespmem:s17+$0x4070] =	vst v0  }
0x112: {  	v58 =	vor.u32 $0xE0, v6;
	v0 =	vld.idx.msk [tilespmem:v12+s9+$0x0], $0xffff;
	[tilespmem:s17+$0x330] =	vst v24  }
0x113: {  	v12 =	vor.u32 $0x140, v1;
	[tilespmem:s17+$0x340] =	vst v10;
	v10 =	vld.idx.msk [tilespmem:v63+s9+$0x0], $0xffff  }
0x114: {  	v59 =	vor.u32 $0x100, v52;
	[tilespmem:s17+$0x350] =	vst v23;
	v23 =	vld.idx.msk [tilespmem:v50+s9+$0x0], $0xffff  }
0x115: {  	[tilespmem:s17+$0x310] =	vst v2;
	v2 =	vld.idx.msk [tilespmem:v57+s9+$0x0], $0xffff  }
0x116: {  	[tilespmem:s17+$0x320] =	vst v4;
	v4 =	vld.idx.msk [tilespmem:v22+s9+$0x0], $0xffff  }
0x117: {  	v61 =	vor.u32 $0xE0, v54;
	[tilespmem:s17+$0x40F0] =	vst v0;
	v22 =	vld.idx.msk [tilespmem:v58+s9+$0x0], $0xffff  }
0x118: {  	v51 =	vor.u32 $0x100, v6;
	v0 =	vld.idx.msk [tilespmem:v12+s9+$0x0], $0xffff;
	[tilespmem:s17+$0x3B0] =	vst v10  }
0x119: {  	[tilespmem:s17+$0x3C0] =	vst v23;
	v23 =	vld.idx.msk [tilespmem:v59+s9+$0x0], $0xffff  }
0x11a: {  	[tilespmem:s17+$0x360] =	vst v25;
	v12 =	vor.u32 $0x160, v1  }
0x11b: {  	[tilespmem:s17+$0x380] =	vst v2  }
0x11c: {  	v46 =	vor.u32 $0xE0, v53;
	v2 =	vld.idx.msk [tilespmem:v61+s9+$0x0], $0xffff;
	[tilespmem:s17+$0x3A0] =	vst v22  }
0x11d: {  	[tilespmem:s17+$0x4170] =	vst v0;
	v10 =	vld.idx.msk [tilespmem:v51+s9+$0x0], $0xffff  }
0x11e: {  	v62 =	vor.u32 $0x100, v8;
	[tilespmem:s17+$0x4030] =	vst v23;
	v23 =	vld [tilespmem:$0x1FE40]  }
0x11f: {  	v0 =	vld.idx.msk [tilespmem:v12+s9+$0x0], $0xffff  }
0x120: {  	v12 =	vor.u32 $0x180, v1  }
0x121: {  	v24 =	vld.idx.msk [tilespmem:v46+s9+$0x0], $0xffff;
	[tilespmem:s17+$0x390] =	vst v4  }
0x122: {  	v60 =	vor.u32 $0x100, v7;
	[tilespmem:s17+$0x3E0] =	vst v2;
	v2 =	vld [tilespmem:$0x1FE10]  }
0x123: {  	v55 =	vor.u32 $0x100, v56;
	v4 =	vld.idx.msk [tilespmem:v62+s9+$0x0], $0xffff;
	[tilespmem:s17+$0x4020] =	vst v10  }
0x124: {  	v47 =	vor.u32 $0x100, v54;
	v10 =	vld [tilespmem:$0x1FE30];
	[tilespmem:s17+$0x41F0] =	vst v0  }
0x125: {  	v0 =	vld.idx.msk [tilespmem:v12+s9+$0x0], $0xffff  }
0x126: {  	v23 =	vld.idx.msk [tilespmem:v23+s9+$0x0], $0xffff  }
0x127: {  	v22 =	vld.idx.msk [tilespmem:v60+s9+$0x0], $0xffff;
	v12 =	vor.u32 $0x1A0, v1  }
0x128: {  	[tilespmem:s17+$0x3D0] =	vst v24;
	v24 =	vld.idx.msk [tilespmem:v55+s9+$0x0], $0xffff  }
0x129: {  	[tilespmem:s17+$0x4000] =	vst v4;
	v4 =	vld.idx.msk [tilespmem:v47+s9+$0x0], $0xffff  }
0x12a: {  	v2 =	vld.idx.msk [tilespmem:v2+s9+$0x0], $0xffff;
	[tilespmem:s17+$0x4270] =	vst v0  }
0x12b: {  	[tilespmem:s17+$0x40A0] =	vst v23;
	v23 =	vld [tilespmem:$0x1FEA0]  }
0x12c: {  	[tilespmem:s17+$0x4010] =	vst v22;
	v0 =	vld.idx.msk [tilespmem:v12+s9+$0x0], $0xffff  }
0x12d: {  	v10 =	vld.idx.msk [tilespmem:v10+s9+$0x0], $0xffff;
	v12 =	vor.u32 $0x1C0, v1  }
0x12e: {  	[tilespmem:s17+$0x4040] =	vst v24;
	v24 =	vld [tilespmem:$0x1FE50]  }
0x12f: {  	[tilespmem:s17+$0x4050] =	vst v2;
	v2 =	vld [tilespmem:$0x1FE60];
	_ =	sdelay $0x1  }
0x130: {  	[tilespmem:s17+$0x42F0] =	vst v0  }
0x131: {  	[tilespmem:s17+$0x4090] =	vst v10;
	v0 =	vld.idx.msk [tilespmem:v12+s9+$0x0], $0xffff  }
0x132: {  	v23 =	vld.idx.msk [tilespmem:v23+s9+$0x0], $0xffff  }
0x133: {  	[tilespmem:s17+$0x4060] =	vst v4;
	v4 =	vld [tilespmem:$0x1FE70];
	v1 =	vor.u32 $0x1E0, v1;
	_ =	sdelay $0x1  }
0x134: {  	v24 =	vld.idx.msk [tilespmem:v24+s9+$0x0], $0xffff  }
0x135: {  	v2 =	vld.idx.msk [tilespmem:v2+s9+$0x0], $0xffff;
	[tilespmem:s17+$0x4370] =	vst v0  }
0x136: {  	[tilespmem:s17+$0x4110] =	vst v23;
	v23 =	vld [tilespmem:$0x1FF10]  }
0x137: {  	v0 =	vld.idx.msk [tilespmem:v1+s9+$0x0], $0xffff;
	_ =	sdelay $0x1  }
0x138: {  	[tilespmem:s17+$0x40B0] =	vst v24;
	v24 =	vld [tilespmem:$0x1FEB0]  }
0x139: {  	v4 =	vld.idx.msk [tilespmem:v4+s9+$0x0], $0xffff  }
0x13a: {  	[tilespmem:s17+$0x40C0] =	vst v2;
	v2 =	vld [tilespmem:$0x1FEC0]  }
0x13b: {  	[tilespmem:s17+$0x43F0] =	vst v0;
	v0 =	vld [tilespmem:$0x1FF80]  }
0x13c: {  	v10 =	vld [tilespmem:$0x1FE80]  }
0x13d: {  	v23 =	vld.idx.msk [tilespmem:v23+s9+$0x0], $0xffff  }
0x13e: {  	v1 =	vld [tilespmem:$0x1FF20]  }
0x13f: {  	v22 =	vld [tilespmem:$0x1FE20]  }
0x140: {  	v24 =	vld.idx.msk [tilespmem:v24+s9+$0x0], $0xffff  }
0x141: {  	[tilespmem:s17+$0x40D0] =	vst v4;
	v4 =	vld [tilespmem:$0x1FED0]  }
0x142: {  	v2 =	vld.idx.msk [tilespmem:v2+s9+$0x0], $0xffff;
	[tilespmem:s17+$0x4190] =	vst v23  }
0x143: {  	v27 =	vld.idx.msk [tilespmem:v0+s9+$0x0], $0xffff  }
0x144: {  	v0 =	vld [tilespmem:$0x1FF90]  }
0x145: {  	v10 =	vld.idx.msk [tilespmem:v10+s9+$0x0], $0xffff;
	[tilespmem:s17+$0x4120] =	vst v24  }
0x146: {  	v1 =	vld.idx.msk [tilespmem:v1+s9+$0x0], $0xffff  }
0x147: {  	[tilespmem:s17+$0x4130] =	vst v2;
	v2 =	vld [tilespmem:$0x1FF30];
	_ =	sdelay $0x1  }
0x148: {  	v22 =	vld.idx.msk [tilespmem:v22+s9+$0x0], $0xffff  }
0x149: {  	v4 =	vld.idx.msk [tilespmem:v4+s9+$0x0], $0xffff;
	[tilespmem:s17+$0x40E0] =	vst v10  }
0x14a: {  	v13 =	vor.u32 $0x180, v52;
	v10 =	vld [tilespmem:$0x1FEE0];
	[tilespmem:s17+$0x41A0] =	vst v1  }
0x14b: {  	[tilespmem:$0x1FFA0] =	vst v13;
	v23 =	vld.idx.msk [tilespmem:v0+s9+$0x0], $0xffff  }
0x14c: {  	v0 =	vld [tilespmem:$0x1FFA0]  }
0x14d: {  	[tilespmem:s17+$0x4080] =	vst v22;
	v22 =	vld [tilespmem:$0x1FE90]  }
0x14e: {  	v2 =	vld.idx.msk [tilespmem:v2+s9+$0x0], $0xffff  }
0x14f: {  	[tilespmem:s17+$0x4140] =	vst v4;
	v4 =	vld [tilespmem:$0x1FF40];
	_ =	sdelay $0x2  }
0x150: {  	v12 =	vld [tilespmem:$0x1FEF0]  }
0x151: {  	v13 =	vor.u32 $0x180, v56;
	v10 =	vld.idx.msk [tilespmem:v10+s9+$0x0], $0xffff;
	[tilespmem:s17+$0x41B0] =	vst v2  }
0x152: {  	[tilespmem:$0x1FFB0] =	vst v13;
	v24 =	vld.idx.msk [tilespmem:v0+s9+$0x0], $0xffff  }
0x153: {  	v0 =	vld [tilespmem:$0x1FFB0]  }
0x154: {  	v22 =	vld.idx.msk [tilespmem:v22+s9+$0x0], $0xffff  }
0x155: {  	v4 =	vld.idx.msk [tilespmem:v4+s9+$0x0], $0xffff  }
0x156: {  	[tilespmem:s17+$0x4150] =	vst v10;
	v10 =	vld [tilespmem:$0x1FF50];
	_ =	sdelay $0x2  }
0x157: {  	[tilespmem:s17+$0x4100] =	vst v22;
	v22 =	vld [tilespmem:$0x1FF00]  }
0x158: {  	v13 =	vor.u32 $0x180, v53;
	v12 =	vld.idx.msk [tilespmem:v12+s9+$0x0], $0xffff;
	[tilespmem:s17+$0x41C0] =	vst v4  }
0x159: {  	[tilespmem:$0x1FFC0] =	vst v13;
	v25 =	vld.idx.msk [tilespmem:v0+s9+$0x0], $0xffff  }
0x15a: {  	v0 =	vld [tilespmem:$0x1FFC0]  }
0x15b: {  	v14 =	vor.u32 $0x160, v54  }
0x15c: {  	[tilespmem:$0x1FF60] =	vst v14;
	v10 =	vld.idx.msk [tilespmem:v10+s9+$0x0], $0xffff  }
0x15d: {  	[tilespmem:s17+$0x4160] =	vst v12;
	v12 =	vld [tilespmem:$0x1FF60];
	_ =	sdelay $0x3  }
0x15e: {  	v22 =	vld.idx.msk [tilespmem:v22+s9+$0x0], $0xffff;
	[tilespmem:s17+$0x41D0] =	vst v10  }
0x15f: {  	v1 =	vld.idx.msk [tilespmem:v0+s9+$0x0], $0xffff  }
0x160: {  	v0 =	vld [tilespmem:$0x1FFD0];
	_ =	sdelay $0x1  }
0x161: {  	v12 =	vld.idx.msk [tilespmem:v12+s9+$0x0], $0xffff  }
0x162: {  	[tilespmem:s17+$0x4180] =	vst v22;
	v22 =	vld [tilespmem:$0x1FF70];
	_ =	sdelay $0x3  }
0x163: {  	v13 =	vor.u32 $0x1A0, v8;
	[tilespmem:s17+$0x41E0] =	vst v12  }
0x164: {  	[tilespmem:$0x1FFE0] =	vst v13;
	v26 =	vld.idx.msk [tilespmem:v0+s9+$0x0], $0xffff  }
0x165: {  	v0 =	vld [tilespmem:$0x1FFE0];
	_ =	sdelay $0x1  }
0x166: {  	s19 =	sadd.s32 $0x8, s19;
	v49 =	vor.u32 $0x1C0, v52;
	v48 =	vor.u32 $0x1E0, v56;
	v22 =	vld.idx.msk [tilespmem:v22+s9+$0x0], $0xffff  }
0x167: {  	p1 =	slt.u32 s19, $0x78;
	v17 =	vor.u32 $0x1A0, v56;
	v21 =	vor.u32 $0x1A0, v6;
	v14 =	vor.u32 $0x1C0, v8  }
.Ltmp0:
0x168: {  	v18 =	vor.u32 $0x1A0, v53;
	v20 =	vor.u32 $0x1A0, v7;
	v16 =	vor.u32 $0x1A0, v54;
	(pc) =	sbr.rel @p1 .LBB2_3-.Ltmp0, $4  }
0x169: {  	v11 =	vor.u32 $0x1C0, v56;
	v8 =	vor.u32 $0x1E0, v8;
	v19 =	vor.u32 $0x1A0, v52  }
0x16a: {  	v13 =	vor.u32 $0x1C0, v6;
	v6 =	vor.u32 $0x1E0, v6;
	v30 =	vor.u32 $0x1C0, v54  }
0x16b: {  	v5 =	vor.u32 $0x1E0, v52;
	v32 =	vor.u32 $0x1E0, v54;
	v3 =	vor.u32 $0x1E0, v53;
	[tilespmem:s17+$0x4200] =	vst v22  }
0x16c: {  	s20 =	sadd.s32 $0x80, s20;
	s18 =	smov.u32 s17;
	v9 =	vor.u32 $0x1C0, v53;
	v15 =	vor.u32 $0x1C0, v7;
	v7 =	vor.u32 $0x1E0, v7;
	[tilespmem:s17+$0x4210] =	vst v27;
	v0 =	vld.idx.msk [tilespmem:v0+s9+$0x0], $0xffff  }
0x16d: {  	_ =	sdelay $0x2  }
0x16e: {  	[tilespmem:s17+$0x4220] =	vst v23  }
0x16f: {  	[tilespmem:s17+$0x4230] =	vst v24;
	v2 =	vld.idx.msk [tilespmem:v20+s9+$0x0], $0xffff  }
0x170: {  	[tilespmem:s17+$0x4240] =	vst v25;
	v4 =	vld.idx.msk [tilespmem:v21+s9+$0x0], $0xffff  }
0x171: {  	[tilespmem:s17+$0x4250] =	vst v1;
	v51 =	vld.idx.msk [tilespmem:v19+s9+$0x0], $0xffff  }
0x172: {  	[tilespmem:s17+$0x4260] =	vst v26;
	v10 =	vld.idx.msk [tilespmem:v17+s9+$0x0], $0xffff  }
0x173: {  	v52 =	vld.idx.msk [tilespmem:v18+s9+$0x0], $0xffff;
	[tilespmem:s17+$0x4280] =	vst v0  }
0x174: {  	v12 =	vld.idx.msk [tilespmem:v16+s9+$0x0], $0xffff;
	[tilespmem:s17+$0x4290] =	vst v2  }
0x175: {  	v53 =	vld.idx.msk [tilespmem:v14+s9+$0x0], $0xffff;
	[tilespmem:s17+$0x42A0] =	vst v4  }
0x176: {  	v54 =	vld.idx.msk [tilespmem:v15+s9+$0x0], $0xffff;
	[tilespmem:s17+$0x42B0] =	vst v51  }
0x177: {  	[tilespmem:s17+$0x42C0] =	vst v10;
	v55 =	vld.idx.msk [tilespmem:v13+s9+$0x0], $0xffff  }
0x178: {  	[tilespmem:s17+$0x42D0] =	vst v52;
	v56 =	vld.idx.msk [tilespmem:v49+s9+$0x0], $0xffff  }
0x179: {  	[tilespmem:s17+$0x42E0] =	vst v12;
	v57 =	vld.idx.msk [tilespmem:v11+s9+$0x0], $0xffff  }
0x17a: {  	v58 =	vld.idx.msk [tilespmem:v9+s9+$0x0], $0xffff;
	[tilespmem:s17+$0x4300] =	vst v53  }
0x17b: {  	v59 =	vld.idx.msk [tilespmem:v30+s9+$0x0], $0xffff;
	[tilespmem:s17+$0x4310] =	vst v54  }
0x17c: {  	v8 =	vld.idx.msk [tilespmem:v8+s9+$0x0], $0xffff;
	[tilespmem:s18+$0x4320] =	vst v55  }
0x17d: {  	v60 =	vld.idx.msk [tilespmem:v7+s9+$0x0], $0xffff;
	[tilespmem:s18+$0x4330] =	vst v56  }
0x17e: {  	[tilespmem:s18+$0x4340] =	vst v57;
	v6 =	vld.idx.msk [tilespmem:v6+s9+$0x0], $0xffff  }
0x17f: {  	[tilespmem:s18+$0x4350] =	vst v58;
	v61 =	vld.idx.msk [tilespmem:v5+s9+$0x0], $0xffff  }
0x180: {  	[tilespmem:s18+$0x4360] =	vst v59;
	v62 =	vld.idx.msk [tilespmem:v48+s9+$0x0], $0xffff  }
0x181: {  	v3 =	vld.idx.msk [tilespmem:v3+s9+$0x0], $0xffff;
	[tilespmem:s18+$0x4380] =	vst v8  }
0x182: {  	v63 =	vld.idx.msk [tilespmem:v32+s9+$0x0], $0xffff;
	[tilespmem:s18+$0x4390] =	vst v60  }
0x183: {  	[tilespmem:s18+$0x43A0] =	vst v6  }
0x184: {  	s30 =	sshll.u32 s15, $0x5;
	[tilespmem:s18+$0x43B0] =	vst v61  }
0x185: {  	s19 =	sshll.u32 s16, $0x8;
	s20 =	sand.u32 $0x60, s30;
	[tilespmem:s18+$0x43C0] =	vst v62  }
0x186: {  	s31 =	sadd.s32 s2, s20;
	s17 =	sand.u32 $0x7F800, s19;
	[tilespmem:s18+$0x43D0] =	vst v3  }
0x187: {  	p1 =	por $0x1, $0x1;
	s19 =	simm.s32 $0x0;
	[tilespmem:s18+$0x43E0] =	vst v63;
	s18 =	sadd.s32 s17, s31  }
.LBB2_5:
0x188: {  	s20 =	sshll.u32 s19, $0xE  }
0x189: {  	s28 =	sshll.u32 s19, $0x16;
	s20 =	sand.u32 $0x3FFFC000, s20  }
0x18a: {  	s19 =	sadd.s32 s28, s18;
	s21 =	sor.u32 $0xA00, s20  }
0x18b: {  	[hbm4b:s19+s10] =	stream.strided.scatter [tilespmem:s21], [sflag:$0x1], $0x400, s11, s10, $0x38;
	[tilespmem:$0x10A00] =	vst v63  }
0x18c: {  	s29 =	sor.u32 $0xE00, s20;
	s22 =	sadd.s32 $0x80, s19  }
0x18d: {  	[hbm4b:s22+s10] =	stream.strided.scatter [tilespmem:s29], [sflag:$0x1], $0x400, s11, s10, $0x38;
	[tilespmem:$0x10A00] =	vst v63  }
0x18e: {  	s30 =	sor.u32 $0x1200, s20;
	s31 =	sadd.s32 $0x100, s19  }
0x18f: {  	[hbm4b:s31+s10] =	stream.strided.scatter [tilespmem:s30], [sflag:$0x1], $0x400, s11, s10, $0x38;
	[tilespmem:$0x10A00] =	vst v63  }
0x190: {  	s23 =	sor.u32 $0x1600, s20;
	s24 =	sadd.s32 $0x180, s19  }
0x191: {  	[hbm4b:s24+s10] =	stream.strided.scatter [tilespmem:s23], [sflag:$0x1], $0x400, s11, s10, $0x38;
	[tilespmem:$0x10A00] =	vst v63  }
0x192: {  	s25 =	sor.u32 $0x1A00, s20;
	s26 =	sadd.s32 $0x200, s19  }
0x193: {  	[hbm4b:s26+s10] =	stream.strided.scatter [tilespmem:s25], [sflag:$0x1], $0x400, s11, s10, $0x38;
	[tilespmem:$0x10A00] =	vst v63  }
0x194: {  	s28 =	sor.u32 $0x1E00, s20;
	s29 =	sadd.s32 $0x280, s19  }
0x195: {  	[hbm4b:s29+s10] =	stream.strided.scatter [tilespmem:s28], [sflag:$0x1], $0x400, s11, s10, $0x38;
	[tilespmem:$0x10A00] =	vst v63  }
0x196: {  	s30 =	sor.u32 $0x2200, s20;
	s31 =	sadd.s32 $0x300, s19  }
0x197: {  	[hbm4b:s31+s10] =	stream.strided.scatter [tilespmem:s30], [sflag:$0x1], $0x400, s11, s10, $0x38;
	[tilespmem:$0x10A00] =	vst v63  }
0x198: {  	s23 =	sor.u32 $0x2600, s20;
	s24 =	sadd.s32 $0x380, s19  }
0x199: {  	[hbm4b:s24+s10] =	stream.strided.scatter [tilespmem:s23], [sflag:$0x1], $0x400, s11, s10, $0x38;
	[tilespmem:$0x10A00] =	vst v63  }
0x19a: {  	s25 =	sor.u32 $0x2A00, s20;
	s26 =	sadd.s32 $0x400, s19  }
0x19b: {  	[hbm4b:s26+s10] =	stream.strided.scatter [tilespmem:s25], [sflag:$0x1], $0x400, s11, s10, $0x38;
	[tilespmem:$0x10A00] =	vst v63  }
0x19c: {  	s28 =	sor.u32 $0x2E00, s20;
	s29 =	sadd.s32 $0x480, s19  }
0x19d: {  	[hbm4b:s29+s10] =	stream.strided.scatter [tilespmem:s28], [sflag:$0x1], $0x400, s11, s10, $0x38;
	[tilespmem:$0x10A00] =	vst v63  }
0x19e: {  	s30 =	sor.u32 $0x3200, s20;
	s31 =	sadd.s32 $0x500, s19  }
0x19f: {  	[hbm4b:s31+s10] =	stream.strided.scatter [tilespmem:s30], [sflag:$0x1], $0x400, s11, s10, $0x38;
	[tilespmem:$0x10A00] =	vst v63  }
0x1a0: {  	s23 =	sor.u32 $0x3600, s20;
	s24 =	sadd.s32 $0x580, s19  }
0x1a1: {  	[hbm4b:s24+s10] =	stream.strided.scatter [tilespmem:s23], [sflag:$0x1], $0x400, s11, s10, $0x38;
	[tilespmem:$0x10A00] =	vst v63  }
0x1a2: {  	s25 =	sor.u32 $0x3A00, s20;
	s26 =	sadd.s32 $0x600, s19  }
0x1a3: {  	[hbm4b:s26+s10] =	stream.strided.scatter [tilespmem:s25], [sflag:$0x1], $0x400, s11, s10, $0x38;
	[tilespmem:$0x10A00] =	vst v63  }
0x1a4: {  	p2 =	por p1, p1;
	s28 =	sor.u32 $0x3E00, s20;
	s29 =	sadd.s32 $0x680, s19  }
0x1a5: {  	[hbm4b:s29+s10] =	stream.strided.scatter [tilespmem:s28], [sflag:$0x1], $0x400, s11, s10, $0x38;
	[tilespmem:$0x10A00] =	vst v63  }
.Ltmp1:
0x1a6: {  	s30 =	sadd.s32 $0x4200, s20;
	s31 =	sadd.s32 $0x700, s19;
	(pc) =	sbr.rel @p2 .LBB2_5-.Ltmp1, $4  }
0x1a7: {  	[hbm4b:s31+s10] =	stream.strided.scatter [tilespmem:s30], [sflag:$0x1], $0x400, s11, s10, $0x38;
	[tilespmem:$0x10A00] =	vst v63  }
0x1a8: {  	s20 =	sadd.s32 $0x4600, s20;
	s19 =	sadd.s32 $0x780, s19  }
0x1a9: {  	[hbm4b:s19+s10] =	stream.strided.scatter [tilespmem:s20], [sflag:$0x1], $0x400, s11, s10, $0x38;
	[tilespmem:$0x10A00] =	vst v63  }
0x1aa: {  	p1 =	por $0x0, $0x0;
	s19 =	simm.s32 $0x1  }
0x1ab: {  	s16 =	sor.u32 $0x1, s16  }
0x1ac: {  	s18 =	simm.s32 @!p0 $0x2;
	v0 =	vmov s16  }
0x1ad: {  	_ =	swait.ge @!p0 [sflag:s18], $0x8000  }
0x1ae: {  	[sflag:s18] =	ssyncset.done @!p0 $0x0  }
0x1af: {  	s31 =	simm.s32 $0x40;
	[sflag:s18] =	ssyncadd.s32 @!p0 $0xFFFF8000  }
0x1b0: {  	v1 =	vld [tilespmem:s31+$0xFFFFFFD0]  }
0x1b1: {  	v9 =	vld.idx.msk [tilespmem:v0+s3+$0x0], $0xffff  }
0x1b2: {  	v0 =	vld [tilespmem:s31+$0x30]  }
0x1b3: {  	v2 =	vld [tilespmem:s31+$0xFFFFFFE0]  }
0x1b4: {  	v3 =	vld [tilespmem:s31+$0xFFFFFFF0]  }
0x1b5: {  	v4 =	vld [tilespmem:s31+$0x0];
	_ =	sdelay $0x1  }
0x1b6: {  	v0 =	vsub.s32 v9, v0  }
0x1b7: {  	v1 =	vsub.s32 v9, v1;
	vm0 =	vgt.s32 v0, $0xFFFFFF80  }
0x1b8: {  	v2 =	vsub.s32 v9, v2;
	v3 =	vsub.s32 v9, v3;
	v0 =	vnsel vm0, $0xFFFFFF80, v0  }
0x1b9: {  	v5 =	vld [tilespmem:s31+$0x10];
	v4 =	vsub.s32 v9, v4;
	vm15 =	vgt.s32 v1, $0xFFFFFF80;
	vm0 =	vlt.s32 v0, $0x80  }
0x1ba: {  	v7 =	vld [tilespmem:s31+$0x20];
	vm1 =	vgt.s32 v2, $0xFFFFFF80;
	vm2 =	vgt.s32 v3, $0xFFFFFF80;
	v0 =	vnsel vm0, $0x80, v0  }
0x1bb: {  	v8 =	vld [tilespmem:s31+$0xFFFFFFC0];
	vm3 =	vgt.s32 v4, $0xFFFFFF80;
	v1 =	vnsel vm15, $0xFFFFFF80, v1;
	v0 =	vadd.s32 $0x80, v0  }
0x1bc: {  	v2 =	vnsel vm1, $0xFFFFFF80, v2;
	v3 =	vnsel vm2, $0xFFFFFF80, v3;
	v0 =	vshrl.u32 v0, $0x3  }
0x1bd: {  	v4 =	vnsel vm3, $0xFFFFFF80, v4;
	vm10 =	vlt.s32 v1, $0x80;
	v6 =	vmin.u32 v0, $0x1F  }
0x1be: {  	vm11 =	vlt.s32 v2, $0x80;
	vm12 =	vlt.s32 v3, $0x80;
	vm13 =	vlt.s32 v4, $0x80  }
0x1bf: {  	v1 =	vnsel vm10, $0x80, v1;
	v2 =	vnsel vm11, $0x80, v2;
	v3 =	vnsel vm12, $0x80, v3  }
0x1c0: {  	v0 =	vsub.s32 v9, v5;
	v5 =	vsub.s32 v9, v7;
	v7 =	vsub.s32 v9, v8  }
0x1c1: {  	[tilespmem:$0x1FE00] =	vst v9;
	v4 =	vnsel vm13, $0x80, v4;
	v2 =	vadd.s32 $0x80, v2;
	vm6 =	vgt.s32 v7, $0xFFFFFF80  }
0x1c2: {  	v4 =	vadd.s32 $0x80, v4;
	v2 =	vshrl.u32 v2, $0x3;
	v7 =	vnsel vm6, $0xFFFFFF80, v7;
	v8 =	vld.idx.msk [tilespmem:v6+s9+$0x0], $0xffff  }
0x1c3: {  	v4 =	vshrl.u32 v4, $0x3;
	v9 =	vor.u32 $0x20, v6;
	vm9 =	vlt.s32 v7, $0x80  }
0x1c4: {  	v4 =	vmin.u32 v4, $0x1F;
	vm5 =	vgt.s32 v5, $0xFFFFFF80;
	v7 =	vnsel vm9, $0x80, v7  }
0x1c5: {  	vm4 =	vgt.s32 v0, $0xFFFFFF80;
	v5 =	vnsel vm5, $0xFFFFFF80, v5;
	v7 =	vadd.s32 $0x80, v7  }
0x1c6: {  	s18 =	simm.s32 $0x8A00;
	v0 =	vnsel vm4, $0xFFFFFF80, v0;
	vm15 =	vlt.s32 v5, $0x80;
	v7 =	vshrl.u32 v7, $0x3  }
0x1c7: {  	[tilespmem:s18+$0x70] =	vst v8;
	v8 =	vnsel vm15, $0x80, v5;
	v5 =	vadd.s32 $0x80, v1;
	v1 =	vmin.u32 v7, $0x1F  }
0x1c8: {  	v10 =	vadd.s32 $0x80, v3;
	v2 =	vmin.u32 v2, $0x1F;
	vm14 =	vlt.s32 v0, $0x80;
	v9 =	vld.idx.msk [tilespmem:v9+s9+$0x0], $0xffff  }
0x1c9: {  	v0 =	vnsel vm14, $0x80, v0;
	v7 =	vor.u32 $0x40, v6;
	v5 =	vshrl.u32 v5, $0x3  }
0x1ca: {  	v8 =	vadd.s32 $0x80, v8;
	v3 =	vmin.u32 v5, $0x1F;
	v5 =	vshrl.u32 v10, $0x3  }
0x1cb: {  	v0 =	vadd.s32 $0x80, v0;
	v15 =	vld.idx.msk [tilespmem:v4+s9+$0x0], $0xffff;
	v8 =	vshrl.u32 v8, $0x3;
	v5 =	vmin.u32 v5, $0x1F  }
0x1cc: {  	v0 =	vshrl.u32 v0, $0x3;
	v22 =	vmin.u32 v8, $0x1F;
	v10 =	vld.idx.msk [tilespmem:v1+s9+$0x0], $0xffff  }
0x1cd: {  	v0 =	vmin.u32 v0, $0x1F;
	[tilespmem:s18+$0xF0] =	vst v9;
	v9 =	vld.idx.msk [tilespmem:v2+s9+$0x0], $0xffff  }
0x1ce: {  	v12 =	vor.u32 $0x20, v1;
	v7 =	vld.idx.msk [tilespmem:v7+s9+$0x0], $0xffff  }
0x1cf: {  	v11 =	vor.u32 $0x60, v6;
	v8 =	vld.idx.msk [tilespmem:v3+s9+$0x0], $0xffff  }
0x1d0: {  	v14 =	vor.u32 $0x20, v3;
	v13 =	vld.idx.msk [tilespmem:v5+s9+$0x0], $0xffff  }
0x1d1: {  	v16 =	vor.u32 $0x20, v2;
	[tilespmem:s18+$0x40] =	vst v15;
	v18 =	vld.idx.msk [tilespmem:v22+s9+$0x0], $0xffff  }
0x1d2: {  	v17 =	vor.u32 $0x20, v5;
	[tilespmem:s18+$0x0] =	vst v10;
	v10 =	vld.idx.msk [tilespmem:v0+s9+$0x0], $0xffff  }
0x1d3: {  	v12 =	vld.idx.msk [tilespmem:v12+s9+$0x0], $0xffff;
	[tilespmem:s18+$0x170] =	vst v7;
	v7 =	vor.u32 $0x20, v4  }
0x1d4: {  	[tilespmem:s18+$0x10] =	vst v8;
	v8 =	vld.idx.msk [tilespmem:v11+s9+$0x0], $0xffff;
	v11 =	vor.u32 $0x20, v0  }
0x1d5: {  	[tilespmem:s18+$0x20] =	vst v9;
	v9 =	vld.idx.msk [tilespmem:v14+s9+$0x0], $0xffff;
	v14 =	vor.u32 $0x20, v22  }
0x1d6: {  	v15 =	vor.u32 $0x40, v1;
	v16 =	vld.idx.msk [tilespmem:v16+s9+$0x0], $0xffff;
	[tilespmem:s18+$0x30] =	vst v13  }
0x1d7: {  	v13 =	vor.u32 $0x80, v6;
	[tilespmem:s18+$0x60] =	vst v18;
	v17 =	vld.idx.msk [tilespmem:v17+s9+$0x0], $0xffff  }
0x1d8: {  	[tilespmem:s18+$0x50] =	vst v10;
	v7 =	vld.idx.msk [tilespmem:v7+s9+$0x0], $0xffff  }
0x1d9: {  	v18 =	vor.u32 $0x40, v2;
	[tilespmem:s18+$0x80] =	vst v12;
	v11 =	vld.idx.msk [tilespmem:v11+s9+$0x0], $0xffff  }
0x1da: {  	v10 =	vor.u32 $0x40, v3;
	[tilespmem:s18+$0x90] =	vst v9;
	v9 =	vld.idx.msk [tilespmem:v14+s9+$0x0], $0xffff  }
0x1db: {  	[tilespmem:s18+$0x1F0] =	vst v8;
	v8 =	vor.u32 $0x40, v5;
	v14 =	vld.idx.msk [tilespmem:v15+s9+$0x0], $0xffff  }
0x1dc: {  	v12 =	vld.idx.msk [tilespmem:v13+s9+$0x0], $0xffff;
	v13 =	vor.u32 $0x40, v4  }
0x1dd: {  	[tilespmem:s18+$0xA0] =	vst v16;
	v16 =	vor.u32 $0x40, v0  }
0x1de: {  	v15 =	vor.u32 $0xA0, v6;
	v18 =	vld.idx.msk [tilespmem:v18+s9+$0x0], $0xffff;
	[tilespmem:s18+$0xB0] =	vst v17  }
0x1df: {  	v17 =	vor.u32 $0x40, v22;
	v10 =	vld.idx.msk [tilespmem:v10+s9+$0x0], $0xffff;
	[tilespmem:s18+$0xC0] =	vst v7  }
0x1e0: {  	v7 =	vor.u32 $0x60, v1;
	v8 =	vld.idx.msk [tilespmem:v8+s9+$0x0], $0xffff;
	[tilespmem:s18+$0xD0] =	vst v11  }
0x1e1: {  	v11 =	vor.u32 $0x60, v3;
	[tilespmem:s18+$0x100] =	vst v14;
	v13 =	vld.idx.msk [tilespmem:v13+s9+$0x0], $0xffff  }
0x1e2: {  	[tilespmem:s18+$0x270] =	vst v12;
	v12 =	vor.u32 $0x60, v2;
	v14 =	vld.idx.msk [tilespmem:v16+s9+$0x0], $0xffff  }
0x1e3: {  	[tilespmem:s18+$0xE0] =	vst v9;
	v9 =	vld.idx.msk [tilespmem:v15+s9+$0x0], $0xffff;
	v15 =	vor.u32 $0x60, v5  }
0x1e4: {  	[tilespmem:s18+$0x110] =	vst v10;
	v10 =	vld.idx.msk [tilespmem:v17+s9+$0x0], $0xffff;
	v17 =	vor.u32 $0x60, v4  }
0x1e5: {  	[tilespmem:s18+$0x120] =	vst v18;
	v16 =	vor.u32 $0xC0, v6;
	v7 =	vld.idx.msk [tilespmem:v7+s9+$0x0], $0xffff  }
0x1e6: {  	v18 =	vor.u32 $0x60, v0;
	v11 =	vld.idx.msk [tilespmem:v11+s9+$0x0], $0xffff;
	[tilespmem:s18+$0x130] =	vst v8  }
0x1e7: {  	v8 =	vor.u32 $0x60, v22;
	v12 =	vld.idx.msk [tilespmem:v12+s9+$0x0], $0xffff;
	[tilespmem:s18+$0x140] =	vst v13  }
0x1e8: {  	v13 =	vor.u32 $0x80, v1;
	[tilespmem:s18+$0x150] =	vst v14;
	v15 =	vld.idx.msk [tilespmem:v15+s9+$0x0], $0xffff  }
0x1e9: {  	[tilespmem:s18+$0x2F0] =	vst v9;
	v9 =	vor.u32 $0x80, v3;
	v17 =	vld.idx.msk [tilespmem:v17+s9+$0x0], $0xffff  }
0x1ea: {  	[tilespmem:s18+$0x160] =	vst v10;
	v14 =	vld.idx.msk [tilespmem:v16+s9+$0x0], $0xffff;
	v16 =	vor.u32 $0x80, v2  }
0x1eb: {  	v10 =	vor.u32 $0xE0, v6;
	[tilespmem:s18+$0x180] =	vst v7;
	v7 =	vld.idx.msk [tilespmem:v18+s9+$0x0], $0xffff  }
0x1ec: {  	v18 =	vor.u32 $0x80, v5;
	[tilespmem:s18+$0x190] =	vst v11;
	v8 =	vld.idx.msk [tilespmem:v8+s9+$0x0], $0xffff  }
0x1ed: {  	v11 =	vor.u32 $0x80, v4;
	v13 =	vld.idx.msk [tilespmem:v13+s9+$0x0], $0xffff;
	[tilespmem:s18+$0x1A0] =	vst v12  }
0x1ee: {  	v12 =	vor.u32 $0x80, v0;
	v9 =	vld.idx.msk [tilespmem:v9+s9+$0x0], $0xffff;
	[tilespmem:s18+$0x1B0] =	vst v15  }
0x1ef: {  	v15 =	vor.u32 $0x80, v22;
	v16 =	vld.idx.msk [tilespmem:v16+s9+$0x0], $0xffff;
	[tilespmem:s18+$0x370] =	vst v14  }
0x1f0: {  	[tilespmem:s18+$0x1C0] =	vst v17;
	v14 =	vor.u32 $0xA0, v1;
	v10 =	vld.idx.msk [tilespmem:v10+s9+$0x0], $0xffff  }
0x1f1: {  	v17 =	vor.u32 $0xA0, v3;
	v18 =	vld.idx.msk [tilespmem:v18+s9+$0x0], $0xffff;
	[tilespmem:s18+$0x1D0] =	vst v7  }
0x1f2: {  	v7 =	vld.idx.msk [tilespmem:v11+s9+$0x0], $0xffff;
	[tilespmem:s18+$0x1E0] =	vst v8;
	v8 =	vor.u32 $0x100, v6  }
0x1f3: {  	v11 =	vor.u32 $0xA0, v2;
	[tilespmem:s18+$0x200] =	vst v13;
	v12 =	vld.idx.msk [tilespmem:v12+s9+$0x0], $0xffff  }
0x1f4: {  	v13 =	vor.u32 $0xA0, v5;
	[tilespmem:s18+$0x210] =	vst v9;
	v9 =	vld.idx.msk [tilespmem:v15+s9+$0x0], $0xffff  }
0x1f5: {  	v15 =	vor.u32 $0xA0, v4;
	v14 =	vld.idx.msk [tilespmem:v14+s9+$0x0], $0xffff;
	[tilespmem:s18+$0x220] =	vst v16  }
0x1f6: {  	v16 =	vor.u32 $0xA0, v0;
	v17 =	vld.idx.msk [tilespmem:v17+s9+$0x0], $0xffff;
	[tilespmem:s18+$0x3F0] =	vst v10  }
0x1f7: {  	v10 =	vor.u32 $0xA0, v22;
	[tilespmem:s18+$0x230] =	vst v18;
	v8 =	vld.idx.msk [tilespmem:v8+s9+$0x0], $0xffff  }
0x1f8: {  	v18 =	vor.u32 $0xC0, v1;
	v11 =	vld.idx.msk [tilespmem:v11+s9+$0x0], $0xffff;
	[tilespmem:s18+$0x240] =	vst v7  }
0x1f9: {  	v7 =	vld.idx.msk [tilespmem:v13+s9+$0x0], $0xffff;
	[tilespmem:s18+$0x250] =	vst v12;
	v12 =	vor.u32 $0x120, v6  }
0x1fa: {  	v13 =	vor.u32 $0xC0, v3;
	v15 =	vld.idx.msk [tilespmem:v15+s9+$0x0], $0xffff;
	[tilespmem:s18+$0x260] =	vst v9  }
0x1fb: {  	v9 =	vor.u32 $0xC0, v2;
	[tilespmem:s18+$0x280] =	vst v14;
	v14 =	vld.idx.msk [tilespmem:v16+s9+$0x0], $0xffff  }
0x1fc: {  	v16 =	vor.u32 $0xC0, v5;
	[tilespmem:s18+$0x290] =	vst v17;
	v10 =	vld.idx.msk [tilespmem:v10+s9+$0x0], $0xffff  }
0x1fd: {  	v17 =	vor.u32 $0xC0, v4;
	v18 =	vld.idx.msk [tilespmem:v18+s9+$0x0], $0xffff;
	[tilespmem:s18+$0x4070] =	vst v8  }
0x1fe: {  	v8 =	vor.u32 $0xC0, v0;
	[tilespmem:s18+$0x2A0] =	vst v11;
	v11 =	vld.idx.msk [tilespmem:v12+s9+$0x0], $0xffff  }
0x1ff: {  	v12 =	vor.u32 $0xC0, v22;
	v13 =	vld.idx.msk [tilespmem:v13+s9+$0x0], $0xffff;
	[tilespmem:s18+$0x2B0] =	vst v7  }
0x200: {  	v7 =	vld.idx.msk [tilespmem:v9+s9+$0x0], $0xffff;
	[tilespmem:s18+$0x2C0] =	vst v15;
	v9 =	vor.u32 $0x140, v6  }
0x201: {  	v15 =	vor.u32 $0xE0, v1;
	v16 =	vld.idx.msk [tilespmem:v16+s9+$0x0], $0xffff;
	[tilespmem:s18+$0x2D0] =	vst v14  }
0x202: {  	v14 =	vor.u32 $0xE0, v3;
	v17 =	vld.idx.msk [tilespmem:v17+s9+$0x0], $0xffff;
	[tilespmem:s18+$0x2E0] =	vst v10  }
0x203: {  	v10 =	vor.u32 $0xE0, v2;
	[tilespmem:s18+$0x300] =	vst v18;
	v8 =	vld.idx.msk [tilespmem:v8+s9+$0x0], $0xffff  }
0x204: {  	v18 =	vor.u32 $0xE0, v5;
	v12 =	vld.idx.msk [tilespmem:v12+s9+$0x0], $0xffff;
	[tilespmem:s18+$0x40F0] =	vst v11  }
0x205: {  	v11 =	vor.u32 $0xE0, v4;
	[tilespmem:s18+$0x310] =	vst v13;
	v9 =	vld.idx.msk [tilespmem:v9+s9+$0x0], $0xffff  }
0x206: {  	v13 =	vor.u32 $0xE0, v0;
	v15 =	vld.idx.msk [tilespmem:v15+s9+$0x0], $0xffff;
	[tilespmem:s18+$0x320] =	vst v7  }
0x207: {  	v7 =	vld.idx.msk [tilespmem:v14+s9+$0x0], $0xffff;
	[tilespmem:s18+$0x330] =	vst v16;
	v14 =	vor.u32 $0x160, v6  }
0x208: {  	v16 =	vor.u32 $0xE0, v22;
	[tilespmem:s18+$0x340] =	vst v17;
	v10 =	vld.idx.msk [tilespmem:v10+s9+$0x0], $0xffff  }
0x209: {  	v17 =	vor.u32 $0x100, v1;
	v18 =	vld.idx.msk [tilespmem:v18+s9+$0x0], $0xffff;
	[tilespmem:s18+$0x350] =	vst v8  }
0x20a: {  	v8 =	vor.u32 $0x100, v3;
	v11 =	vld.idx.msk [tilespmem:v11+s9+$0x0], $0xffff;
	[tilespmem:s18+$0x360] =	vst v12  }
0x20b: {  	v12 =	vor.u32 $0x100, v2;
	v13 =	vld.idx.msk [tilespmem:v13+s9+$0x0], $0xffff;
	[tilespmem:s18+$0x4170] =	vst v9  }
0x20c: {  	v9 =	vor.u32 $0x100, v5;
	[tilespmem:s18+$0x380] =	vst v15;
	v14 =	vld.idx.msk [tilespmem:v14+s9+$0x0], $0xffff  }
0x20d: {  	v15 =	vor.u32 $0x100, v4;
	[tilespmem:s18+$0x390] =	vst v7;
	v7 =	vld.idx.msk [tilespmem:v16+s9+$0x0], $0xffff  }
0x20e: {  	v16 =	vld.idx.msk [tilespmem:v17+s9+$0x0], $0xffff;
	v17 =	vor.u32 $0x100, v0;
	[tilespmem:s18+$0x3A0] =	vst v10  }
0x20f: {  	v10 =	vor.u32 $0x180, v6;
	[tilespmem:s18+$0x3B0] =	vst v18;
	v8 =	vld.idx.msk [tilespmem:v8+s9+$0x0], $0xffff  }
0x210: {  	v18 =	vor.u32 $0x100, v22;
	v12 =	vld.idx.msk [tilespmem:v12+s9+$0x0], $0xffff;
	[tilespmem:s18+$0x3C0] =	vst v11  }
0x211: {  	v11 =	vor.u32 $0x120, v1;
	[tilespmem:s18+$0x3D0] =	vst v13;
	v9 =	vld.idx.msk [tilespmem:v9+s9+$0x0], $0xffff  }
0x212: {  	v13 =	vor.u32 $0x120, v3;
	v15 =	vld.idx.msk [tilespmem:v15+s9+$0x0], $0xffff;
	[tilespmem:s18+$0x41F0] =	vst v14  }
0x213: {  	v14 =	vor.u32 $0x120, v2;
	[tilespmem:s18+$0x4000] =	vst v16;
	v16 =	vld.idx.msk [tilespmem:v17+s9+$0x0], $0xffff  }
0x214: {  	[tilespmem:s18+$0x3E0] =	vst v7;
	v7 =	vld.idx.msk [tilespmem:v10+s9+$0x0], $0xffff;
	v10 =	vor.u32 $0x120, v5  }
0x215: {  	v17 =	vor.u32 $0x1A0, v6;
	[tilespmem:s18+$0x4010] =	vst v8;
	v8 =	vld.idx.msk [tilespmem:v18+s9+$0x0], $0xffff  }
0x216: {  	v18 =	vor.u32 $0x120, v4;
	v11 =	vld.idx.msk [tilespmem:v11+s9+$0x0], $0xffff;
	[tilespmem:s18+$0x4020] =	vst v12  }
0x217: {  	v12 =	vor.u32 $0x120, v0;
	v13 =	vld.idx.msk [tilespmem:v13+s9+$0x0], $0xffff;
	[tilespmem:s18+$0x4030] =	vst v9  }
0x218: {  	v9 =	vor.u32 $0x120, v22;
	[tilespmem:s18+$0x4040] =	vst v15;
	v14 =	vld.idx.msk [tilespmem:v14+s9+$0x0], $0xffff  }
0x219: {  	v15 =	vor.u32 $0x140, v1;
	v10 =	vld.idx.msk [tilespmem:v10+s9+$0x0], $0xffff;
	[tilespmem:s18+$0x4270] =	vst v7  }
0x21a: {  	[tilespmem:s18+$0x4050] =	vst v16;
	v7 =	vor.u32 $0x140, v3;
	v16 =	vld.idx.msk [tilespmem:v17+s9+$0x0], $0xffff  }
0x21b: {  	v17 =	vor.u32 $0x140, v2;
	v18 =	vld.idx.msk [tilespmem:v18+s9+$0x0], $0xffff;
	[tilespmem:s18+$0x4060] =	vst v8  }
0x21c: {  	[tilespmem:s18+$0x4080] =	vst v11;
	v8 =	vld.idx.msk [tilespmem:v12+s9+$0x0], $0xffff;
	v11 =	vor.u32 $0x1C0, v6  }
0x21d: {  	v12 =	vor.u32 $0x140, v5;
	[tilespmem:s18+$0x4090] =	vst v13;
	v9 =	vld.idx.msk [tilespmem:v9+s9+$0x0], $0xffff  }
0x21e: {  	v13 =	vor.u32 $0x140, v4;
	v15 =	vld.idx.msk [tilespmem:v15+s9+$0x0], $0xffff;
	[tilespmem:s18+$0x40A0] =	vst v14  }
0x21f: {  	v14 =	vor.u32 $0x140, v0;
	v7 =	vld.idx.msk [tilespmem:v7+s9+$0x0], $0xffff;
	[tilespmem:s18+$0x40B0] =	vst v10  }
0x220: {  	v10 =	vor.u32 $0x140, v22;
	v17 =	vld.idx.msk [tilespmem:v17+s9+$0x0], $0xffff;
	[tilespmem:s18+$0x42F0] =	vst v16  }
0x221: {  	v16 =	vor.u32 $0x160, v1;
	[tilespmem:s18+$0x40C0] =	vst v18;
	v11 =	vld.idx.msk [tilespmem:v11+s9+$0x0], $0xffff  }
0x222: {  	v18 =	vor.u32 $0x160, v3;
	v12 =	vld.idx.msk [tilespmem:v12+s9+$0x0], $0xffff;
	[tilespmem:s18+$0x40D0] =	vst v8  }
0x223: {  	v6 =	vor.u32 $0x1E0, v6;
	v8 =	vld.idx.msk [tilespmem:v13+s9+$0x0], $0xffff;
	[tilespmem:s18+$0x40E0] =	vst v9  }
0x224: {  	v9 =	vor.u32 $0x160, v2;
	[tilespmem:s18+$0x4100] =	vst v15;
	v13 =	vld.idx.msk [tilespmem:v14+s9+$0x0], $0xffff  }
0x225: {  	v14 =	vor.u32 $0x160, v5;
	[tilespmem:s18+$0x4110] =	vst v7;
	v7 =	vld.idx.msk [tilespmem:v10+s9+$0x0], $0xffff  }
0x226: {  	v10 =	vor.u32 $0x160, v4;
	v15 =	vld.idx.msk [tilespmem:v16+s9+$0x0], $0xffff;
	[tilespmem:s18+$0x4120] =	vst v17  }
0x227: {  	v16 =	vor.u32 $0x160, v0;
	v17 =	vld.idx.msk [tilespmem:v18+s9+$0x0], $0xffff;
	[tilespmem:s18+$0x4370] =	vst v11  }
0x228: {  	v11 =	vor.u32 $0x160, v22;
	[tilespmem:s18+$0x4130] =	vst v12;
	v6 =	vld.idx.msk [tilespmem:v6+s9+$0x0], $0xffff  }
0x229: {  	v12 =	vor.u32 $0x180, v1;
	[tilespmem:s18+$0x4140] =	vst v8;
	v9 =	vld.idx.msk [tilespmem:v9+s9+$0x0], $0xffff  }
0x22a: {  	v8 =	vor.u32 $0x180, v3;
	v18 =	vld.idx.msk [tilespmem:v14+s9+$0x0], $0xffff;
	[tilespmem:s18+$0x4150] =	vst v13  }
0x22b: {  	v13 =	vor.u32 $0x180, v2;
	v10 =	vld.idx.msk [tilespmem:v10+s9+$0x0], $0xffff;
	[tilespmem:s18+$0x4160] =	vst v7  }
0x22c: {  	v7 =	vor.u32 $0x180, v5;
	[tilespmem:s18+$0x4180] =	vst v15;
	v25 =	vld.idx.msk [tilespmem:v16+s9+$0x0], $0xffff  }
0x22d: {  	v26 =	vor.u32 $0x180, v4;
	[tilespmem:s18+$0x4190] =	vst v17;
	v27 =	vld.idx.msk [tilespmem:v11+s9+$0x0], $0xffff  }
0x22e: {  	v21 =	vor.u32 $0x1A0, v2;
	v28 =	vor.u32 $0x180, v0;
	v30 =	vld.idx.msk [tilespmem:v12+s9+$0x0], $0xffff;
	[tilespmem:s18+$0x43F0] =	vst v6  }
0x22f: {  	v48 =	vor.u32 $0x1E0, v4;
	v29 =	vor.u32 $0x1A0, v1;
	v31 =	vor.u32 $0x180, v22;
	v32 =	vld.idx.msk [tilespmem:v8+s9+$0x0], $0xffff;
	[tilespmem:s18+$0x41A0] =	vst v9  }
0x230: {  	v20 =	vor.u32 $0x1A0, v3;
	v19 =	vor.u32 $0x1A0, v5;
	v49 =	vor.u32 $0x1C0, v5;
	v23 =	vld.idx.msk [tilespmem:v13+s9+$0x0], $0xffff;
	[tilespmem:s18+$0x41B0] =	vst v18  }
0x231: {  	v14 =	vor.u32 $0x1C0, v1;
	v5 =	vor.u32 $0x1E0, v5;
	v17 =	vor.u32 $0x1A0, v4;
	v24 =	vld.idx.msk [tilespmem:v7+s9+$0x0], $0xffff;
	[tilespmem:s18+$0x41C0] =	vst v10  }
0x232: {  	v16 =	vor.u32 $0x1A0, v22;
	v15 =	vor.u32 $0x1C0, v3;
	v11 =	vor.u32 $0x1C0, v4;
	[tilespmem:s18+$0x41D0] =	vst v25;
	v25 =	vld.idx.msk [tilespmem:v26+s9+$0x0], $0xffff  }
0x233: {  	v8 =	vor.u32 $0x1E0, v1;
	v9 =	vor.u32 $0x1C0, v0;
	v6 =	vor.u32 $0x1E0, v2;
	[tilespmem:s18+$0x41E0] =	vst v27;
	v1 =	vld.idx.msk [tilespmem:v28+s9+$0x0], $0xffff  }
0x234: {  	v18 =	vor.u32 $0x1A0, v0;
	v13 =	vor.u32 $0x1C0, v2;
	v7 =	vor.u32 $0x1E0, v3;
	[tilespmem:s18+$0x4200] =	vst v30;
	v26 =	vld.idx.msk [tilespmem:v31+s9+$0x0], $0xffff  }
0x235: {  	s20 =	simm.s32 $0x0;
	s21 =	simm.s32 $0xC0;
	s19 =	simm.s32 $0x8A00;
	v3 =	vor.u32 $0x1E0, v0;
	v30 =	vor.u32 $0x1C0, v22;
	[tilespmem:s18+$0x4210] =	vst v32;
	v32 =	vor.u32 $0x1E0, v22;
	v0 =	vld.idx.msk [tilespmem:v29+s9+$0x0], $0xffff  }
.LBB2_7:
0x236: {  	v22 =	vld [tilespmem:s21+$0x30]  }
0x237: {  	[tilespmem:s18+$0x4220] =	vst v23;
	v23 =	vld [tilespmem:s21+$0xFFFFFFD0]  }
0x238: {  	v2 =	vld [tilespmem:$0x1FE00]  }
0x239: {  	v20 =	vld.idx.msk [tilespmem:v20+s9+$0x0], $0xffff  }
0x23a: {  	[tilespmem:s18+$0x4230] =	vst v24;
	v24 =	vld [tilespmem:s21+$0xFFFFFFE0]  }
0x23b: {  	[tilespmem:s18+$0x4240] =	vst v25;
	v25 =	vld [tilespmem:s21+$0xFFFFFFF0]  }
0x23c: {  	[tilespmem:s18+$0x4250] =	vst v1;
	v1 =	vld [tilespmem:s21+$0x0]  }
0x23d: {  	[tilespmem:s18+$0x4260] =	vst v26;
	v26 =	vld [tilespmem:s21+$0x10]  }
0x23e: {  	v21 =	vld.idx.msk [tilespmem:v21+s9+$0x0], $0xffff  }
0x23f: {  	v19 =	vld.idx.msk [tilespmem:v19+s9+$0x0], $0xffff  }
0x240: {  	v17 =	vld.idx.msk [tilespmem:v17+s9+$0x0], $0xffff  }
0x241: {  	v18 =	vld.idx.msk [tilespmem:v18+s9+$0x0], $0xffff;
	[tilespmem:s18+$0x4280] =	vst v0;
	v22 =	vsub.s32 v2, v22;
	v0 =	vsub.s32 v2, v23  }
0x242: {  	v16 =	vld.idx.msk [tilespmem:v16+s9+$0x0], $0xffff;
	vm0 =	vgt.s32 v22, $0xFFFFFF80;
	vm1 =	vgt.s32 v0, $0xFFFFFF80  }
0x243: {  	v23 =	vld [tilespmem:s21+$0x20];
	v24 =	vsub.s32 v2, v24;
	v25 =	vsub.s32 v2, v25;
	v28 =	vsub.s32 v2, v1  }
0x244: {  	v27 =	vld [tilespmem:s21+$0xFFFFFFC0];
	[tilespmem:s18+$0x4290] =	vst v20;
	v22 =	vnsel vm0, $0xFFFFFF80, v22;
	vm9 =	vgt.s32 v24, $0xFFFFFF80;
	vm3 =	vgt.s32 v25, $0xFFFFFF80  }
0x245: {  	v14 =	vld.idx.msk [tilespmem:v14+s9+$0x0], $0xffff;
	[tilespmem:s18+$0x42A0] =	vst v21;
	vm10 =	vgt.s32 v28, $0xFFFFFF80;
	v0 =	vnsel vm1, $0xFFFFFF80, v0;
	vm2 =	vlt.s32 v22, $0x80  }
0x246: {  	v15 =	vld.idx.msk [tilespmem:v15+s9+$0x0], $0xffff;
	[tilespmem:s18+$0x42B0] =	vst v19;
	v24 =	vnsel vm9, $0xFFFFFF80, v24;
	v25 =	vnsel vm3, $0xFFFFFF80, v25;
	vm1 =	vlt.s32 v0, $0x80  }
0x247: {  	[tilespmem:s18+$0x42C0] =	vst v17;
	v13 =	vld.idx.msk [tilespmem:v13+s9+$0x0], $0xffff;
	v1 =	vnsel vm2, $0x80, v22;
	v22 =	vsub.s32 v2, v26;
	vm12 =	vlt.s32 v24, $0x80  }
0x248: {  	[tilespmem:s18+$0x42D0] =	vst v18;
	v12 =	vld.idx.msk [tilespmem:v49+s9+$0x0], $0xffff;
	vm3 =	vlt.s32 v25, $0x80;
	v0 =	vnsel vm1, $0x80, v0;
	v1 =	vadd.s32 $0x80, v1  }
0x249: {  	[tilespmem:s18+$0x42E0] =	vst v16;
	v11 =	vld.idx.msk [tilespmem:v11+s9+$0x0], $0xffff;
	vm4 =	vgt.s32 v22, $0xFFFFFF80;
	v23 =	vsub.s32 v2, v23;
	v26 =	vsub.s32 v2, v27  }
0x24a: {  	v9 =	vld.idx.msk [tilespmem:v9+s9+$0x0], $0xffff;
	v27 =	vnsel vm10, $0xFFFFFF80, v28;
	v21 =	vnsel vm12, $0x80, v24;
	v18 =	vnsel vm3, $0x80, v25;
	[tilespmem:s18+$0x4300] =	vst v14  }
0x24b: {  	v10 =	vld.idx.msk [tilespmem:v30+s9+$0x0], $0xffff;
	v0 =	vadd.s32 $0x80, v0;
	v1 =	vshrl.u32 v1, $0x3;
	vm5 =	vgt.s32 v23, $0xFFFFFF80;
	[tilespmem:s18+$0x4310] =	vst v15  }
0x24c: {  	vm6 =	vgt.s32 v26, $0xFFFFFF80;
	v20 =	vnsel vm4, $0xFFFFFF80, v22;
	v14 =	vadd.s32 $0x80, v21;
	v21 =	vld.idx.msk [tilespmem:v8+s9+$0x0], $0xffff;
	[tilespmem:s19+$0x4320] =	vst v13  }
0x24d: {  	vm13 =	vlt.s32 v27, $0x80;
	v0 =	vshrl.u32 v0, $0x3;
	v13 =	vshrl.u32 v14, $0x3;
	v14 =	vld.idx.msk [tilespmem:v7+s9+$0x0], $0xffff;
	[tilespmem:s19+$0x4330] =	vst v12  }
0x24e: {  	v1 =	vmin.u32 v1, $0x1F;
	v26 =	vnsel vm6, $0xFFFFFF80, v26;
	v22 =	vnsel vm5, $0xFFFFFF80, v23;
	[tilespmem:s19+$0x4340] =	vst v11;
	v12 =	vld.idx.msk [tilespmem:v6+s9+$0x0], $0xffff  }
0x24f: {  	vm14 =	vlt.s32 v20, $0x80;
	v7 =	vmin.u32 v0, $0x1F;
	[tilespmem:s19+$0x4350] =	vst v9;
	vm11 =	vlt.s32 v26, $0x80;
	v5 =	vld.idx.msk [tilespmem:v5+s9+$0x0], $0xffff  }
0x250: {  	[tilespmem:s19+$0x4360] =	vst v10;
	vm15 =	vlt.s32 v22, $0x80;
	v6 =	vmin.u32 v13, $0x1F;
	v3 =	vld.idx.msk [tilespmem:v3+s9+$0x0], $0xffff;
	v17 =	vnsel vm11, $0x80, v26  }
0x251: {  	v16 =	vadd.s32 $0x80, v17;
	v17 =	vnsel vm14, $0x80, v20;
	v20 =	vnsel vm15, $0x80, v22;
	[tilespmem:s19+$0x4380] =	vst v21  }
0x252: {  	v18 =	vadd.s32 $0x80, v18;
	v22 =	vld.idx.msk [tilespmem:v32+s9+$0x0], $0xffff;
	v20 =	vadd.s32 $0x80, v20;
	v8 =	vshrl.u32 v16, $0x3;
	[tilespmem:s19+$0x4390] =	vst v14  }
0x253: {  	v16 =	vshrl.u32 v18, $0x3;
	v19 =	vld.idx.msk [tilespmem:v1+s9+$0x0], $0xffff;
	v8 =	vmin.u32 v8, $0x1F;
	v0 =	vshrl.u32 v20, $0x3;
	[tilespmem:s19+$0x43A0] =	vst v12  }
0x254: {  	v17 =	vadd.s32 $0x80, v17;
	v52 =	vmin.u32 v16, $0x1F;
	v54 =	vmin.u32 v0, $0x1F;
	v0 =	vld.idx.msk [tilespmem:v48+s9+$0x0], $0xffff;
	[tilespmem:s19+$0x43B0] =	vst v5  }
0x255: {  	v24 =	vor.u32 $0x20, v1;
	v17 =	vshrl.u32 v17, $0x3;
	v25 =	vld.idx.msk [tilespmem:v7+s9+$0x0], $0xffff;
	[tilespmem:s19+$0x43D0] =	vst v3;
	v2 =	vor.u32 $0x120, v8  }
0x256: {  	v23 =	vnsel vm13, $0x80, v27;
	v53 =	vmin.u32 v17, $0x1F;
	v26 =	vld.idx.msk [tilespmem:v6+s9+$0x0], $0xffff;
	[tilespmem:$0x1FC30] =	vst v2  }
0x257: {  	s18 =	sadd.s32 $0x400, s18;
	v15 =	vadd.s32 $0x80, v23;
	[tilespmem:s19+$0x43E0] =	vst v22  }
0x258: {  	v15 =	vshrl.u32 v15, $0x3;
	v17 =	vor.u32 $0x20, v7;
	[tilespmem:s18+$0x70] =	vst v19;
	v23 =	vld.idx.msk [tilespmem:v8+s9+$0x0], $0xffff  }
0x259: {  	v56 =	vmin.u32 v15, $0x1F;
	v28 =	vld.idx.msk [tilespmem:v52+s9+$0x0], $0xffff;
	[tilespmem:s19+$0x43C0] =	vst v0  }
0x25a: {  	v18 =	vld.idx.msk [tilespmem:v24+s9+$0x0], $0xffff;
	[tilespmem:s18+$0x10] =	vst v25  }
0x25b: {  	v19 =	vor.u32 $0x20, v6;
	v22 =	vld.idx.msk [tilespmem:v53+s9+$0x0], $0xffff;
	v0 =	vor.u32 $0x100, v53;
	[tilespmem:s18+$0x20] =	vst v26  }
0x25c: {  	v16 =	vor.u32 $0x20, v8;
	v50 =	vld.idx.msk [tilespmem:v54+s9+$0x0], $0xffff;
	[tilespmem:$0x1FC20] =	vst v0  }
0x25d: {  	v20 =	vor.u32 $0x20, v52;
	v17 =	vld.idx.msk [tilespmem:v17+s9+$0x0], $0xffff;
	[tilespmem:s18+$0x0] =	vst v23  }
0x25e: {  	v48 =	vor.u32 $0x40, v7;
	v29 =	vld.idx.msk [tilespmem:v56+s9+$0x0], $0xffff;
	[tilespmem:s18+$0x30] =	vst v28  }
0x25f: {  	v11 =	vor.u32 $0x40, v1;
	[tilespmem:s18+$0xF0] =	vst v18  }
0x260: {  	v19 =	vld.idx.msk [tilespmem:v19+s9+$0x0], $0xffff;
	[tilespmem:s18+$0x50] =	vst v22  }
0x261: {  	v46 =	vor.u32 $0x20, v53;
	v16 =	vld.idx.msk [tilespmem:v16+s9+$0x0], $0xffff;
	[tilespmem:s18+$0x60] =	vst v50  }
0x262: {  	v49 =	vor.u32 $0x20, v54;
	v20 =	vld.idx.msk [tilespmem:v20+s9+$0x0], $0xffff;
	[tilespmem:s18+$0x90] =	vst v17  }
0x263: {  	v21 =	vor.u32 $0x20, v56;
	[tilespmem:s18+$0x40] =	vst v29;
	v2 =	vld.idx.msk [tilespmem:v48+s9+$0x0], $0xffff;
	v48 =	vor.u32 $0x120, v7  }
0x264: {  	v24 =	vld.idx.msk [tilespmem:v11+s9+$0x0], $0xffff;
	[tilespmem:$0x1FC40] =	vst v48  }
0x265: {  	v48 =	vor.u32 $0x120, v6;
	[tilespmem:s18+$0xA0] =	vst v19  }
0x266: {  	v3 =	vld.idx.msk [tilespmem:v46+s9+$0x0], $0xffff;
	[tilespmem:$0x1FC50] =	vst v48  }
0x267: {  	v17 =	vld.idx.msk [tilespmem:v49+s9+$0x0], $0xffff;
	[tilespmem:s18+$0x80] =	vst v16  }
0x268: {  	v21 =	vld.idx.msk [tilespmem:v21+s9+$0x0], $0xffff;
	[tilespmem:s18+$0xB0] =	vst v20  }
0x269: {  	v20 =	vor.u32 $0x120, v52;
	[tilespmem:s18+$0x170] =	vst v24  }
0x26a: {  	[tilespmem:$0x1FC60] =	vst v20  }
0x26b: {  	[tilespmem:s18+$0xD0] =	vst v3  }
0x26c: {  	[tilespmem:s18+$0xE0] =	vst v17  }
0x26d: {  	v18 =	vor.u32 $0x40, v6;
	v20 =	vor.u32 $0x120, v56;
	[tilespmem:s18+$0xC0] =	vst v21  }
0x26e: {  	v4 =	vor.u32 $0x40, v56;
	v3 =	vor.u32 $0x140, v52;
	[tilespmem:$0x1FC70] =	vst v20  }
0x26f: {  	[tilespmem:$0x1FCD0] =	vst v3  }
0x270: {  	v47 =	vor.u32 $0x40, v8;
	v20 =	vor.u32 $0x120, v53;
	[tilespmem:s18+$0x110] =	vst v2  }
0x271: {  	v27 =	vor.u32 $0x60, v1;
	v2 =	vor.u32 $0x160, v53;
	[tilespmem:$0x1FC80] =	vst v20  }
0x272: {  	v18 =	vld.idx.msk [tilespmem:v18+s9+$0x0], $0xffff;
	v20 =	vor.u32 $0x120, v54;
	[tilespmem:$0x1FD60] =	vst v2  }
0x273: {  	v3 =	vld.idx.msk [tilespmem:v4+s9+$0x0], $0xffff;
	v4 =	vor.u32 $0x140, v56;
	[tilespmem:$0x1FC90] =	vst v20  }
0x274: {  	v20 =	vor.u32 $0x140, v8;
	[tilespmem:$0x1FCE0] =	vst v4  }
0x275: {  	v0 =	vld.idx.msk [tilespmem:v47+s9+$0x0], $0xffff;
	v4 =	vor.u32 $0x140, v53;
	[tilespmem:$0x1FCA0] =	vst v20  }
0x276: {  	v51 =	vld.idx.msk [tilespmem:v27+s9+$0x0], $0xffff;
	[tilespmem:$0x1FCF0] =	vst v4  }
0x277: {  	v20 =	vor.u32 $0x140, v7;
	[tilespmem:s18+$0x120] =	vst v18  }
0x278: {  	v4 =	vor.u32 $0x160, v8;
	[tilespmem:$0x1FCB0] =	vst v20  }
0x279: {  	[tilespmem:$0x1FD10] =	vst v4  }
0x27a: {  	v45 =	vor.u32 $0x40, v52;
	[tilespmem:s18+$0x100] =	vst v0  }
0x27b: {  	v12 =	vor.u32 $0x60, v8;
	v20 =	vor.u32 $0x140, v6;
	[tilespmem:s18+$0x1F0] =	vst v51  }
0x27c: {  	v55 =	vor.u32 $0x80, v1;
	v4 =	vor.u32 $0x160, v7;
	[tilespmem:$0x1FCC0] =	vst v20  }
0x27d: {  	v0 =	vor.u32 $0x160, v6;
	[tilespmem:$0x1FD20] =	vst v4  }
0x27e: {  	v10 =	vor.u32 $0x60, v6;
	v4 =	vor.u32 $0x140, v54;
	[tilespmem:$0x1FD30] =	vst v0  }
0x27f: {  	v20 =	vld.idx.msk [tilespmem:v45+s9+$0x0], $0xffff;
	v0 =	vor.u32 $0x160, v52;
	[tilespmem:$0x1FD00] =	vst v4  }
0x280: {  	v14 =	vor.u32 $0x40, v54;
	v45 =	vld.idx.msk [tilespmem:v12+s9+$0x0], $0xffff;
	v12 =	vor.u32 $0x180, v8;
	[tilespmem:$0x1FD40] =	vst v0  }
0x281: {  	v15 =	vor.u32 $0x40, v53;
	v16 =	vld.idx.msk [tilespmem:v55+s9+$0x0], $0xffff;
	[tilespmem:$0x1FD80] =	vst v12  }
0x282: {  	v19 =	vor.u32 $0xA0, v1;
	v0 =	vor.u32 $0x160, v56;
	[tilespmem:s18+$0x140] =	vst v3  }
0x283: {  	v13 =	vor.u32 $0x60, v7;
	v10 =	vld.idx.msk [tilespmem:v10+s9+$0x0], $0xffff;
	v12 =	vor.u32 $0x180, v7;
	[tilespmem:$0x1FD50] =	vst v0  }
0x284: {  	v44 =	vor.u32 $0x80, v6;
	v3 =	vor.u32 $0x180, v54;
	[tilespmem:$0x1FD90] =	vst v12  }
0x285: {  	v11 =	vor.u32 $0x60, v52;
	v2 =	vld.idx.msk [tilespmem:v14+s9+$0x0], $0xffff;
	[tilespmem:$0x1FDE0] =	vst v3  }
0x286: {  	v31 =	vor.u32 $0x80, v8;
	v0 =	vld.idx.msk [tilespmem:v15+s9+$0x0], $0xffff;
	v12 =	vor.u32 $0x180, v6;
	[tilespmem:s18+$0x270] =	vst v16  }
0x287: {  	v5 =	vor.u32 $0x60, v53;
	[tilespmem:$0x1FDA0] =	vst v12;
	v4 =	vld.idx.msk [tilespmem:v19+s9+$0x0], $0xffff  }
0x288: {  	v15 =	vor.u32 $0xC0, v1;
	v12 =	vld.idx.msk [tilespmem:v13+s9+$0x0], $0xffff;
	[tilespmem:s18+$0x1A0] =	vst v10  }
0x289: {  	v30 =	vor.u32 $0x60, v54;
	[tilespmem:s18+$0x130] =	vst v20;
	v44 =	vld.idx.msk [tilespmem:v44+s9+$0x0], $0xffff  }
0x28a: {  	v9 =	vor.u32 $0x60, v56;
	[tilespmem:s18+$0x180] =	vst v45;
	v3 =	vld.idx.msk [tilespmem:v11+s9+$0x0], $0xffff  }
0x28b: {  	v32 =	vor.u32 $0x80, v7;
	v31 =	vld.idx.msk [tilespmem:v31+s9+$0x0], $0xffff;
	[tilespmem:s18+$0x150] =	vst v0  }
0x28c: {  	v38 =	vor.u32 $0xA0, v8;
	v45 =	vld.idx.msk [tilespmem:v5+s9+$0x0], $0xffff;
	[tilespmem:s18+$0x2F0] =	vst v4  }
0x28d: {  	v41 =	vor.u32 $0x80, v53;
	[tilespmem:s18+$0x160] =	vst v2;
	v0 =	vld.idx.msk [tilespmem:v15+s9+$0x0], $0xffff  }
0x28e: {  	v2 =	vor.u32 $0xE0, v1;
	[tilespmem:s18+$0x190] =	vst v12;
	v12 =	vld.idx.msk [tilespmem:v30+s9+$0x0], $0xffff  }
0x28f: {  	v43 =	vor.u32 $0x80, v52;
	[tilespmem:s18+$0x220] =	vst v44;
	v4 =	vld.idx.msk [tilespmem:v9+s9+$0x0], $0xffff  }
0x290: {  	v42 =	vor.u32 $0x80, v56;
	v10 =	vld.idx.msk [tilespmem:v32+s9+$0x0], $0xffff;
	[tilespmem:s18+$0x200] =	vst v31  }
0x291: {  	v40 =	vor.u32 $0x80, v54;
	v38 =	vld.idx.msk [tilespmem:v38+s9+$0x0], $0xffff;
	[tilespmem:s18+$0x1D0] =	vst v45  }
0x292: {  	v39 =	vor.u32 $0xA0, v7;
	v31 =	vld.idx.msk [tilespmem:v41+s9+$0x0], $0xffff;
	[tilespmem:s18+$0x370] =	vst v0  }
0x293: {  	v23 =	vor.u32 $0xC0, v8;
	[tilespmem:s18+$0x1B0] =	vst v3;
	v0 =	vld.idx.msk [tilespmem:v2+s9+$0x0], $0xffff  }
0x294: {  	v37 =	vor.u32 $0xA0, v6;
	[tilespmem:s18+$0x1C0] =	vst v4;
	v2 =	vld.idx.msk [tilespmem:v43+s9+$0x0], $0xffff  }
0x295: {  	v35 =	vor.u32 $0xA0, v52;
	[tilespmem:s18+$0x1E0] =	vst v12;
	v4 =	vld.idx.msk [tilespmem:v42+s9+$0x0], $0xffff  }
0x296: {  	v36 =	vor.u32 $0xA0, v56;
	[tilespmem:s18+$0x210] =	vst v10;
	v10 =	vld.idx.msk [tilespmem:v40+s9+$0x0], $0xffff  }
0x297: {  	v34 =	vor.u32 $0xA0, v53;
	v39 =	vld.idx.msk [tilespmem:v39+s9+$0x0], $0xffff;
	[tilespmem:s18+$0x280] =	vst v38  }
0x298: {  	v33 =	vor.u32 $0xA0, v54;
	v23 =	vld.idx.msk [tilespmem:v23+s9+$0x0], $0xffff;
	[tilespmem:s18+$0x250] =	vst v31  }
0x299: {  	v12 =	vor.u32 $0x100, v1;
	[tilespmem:s18+$0x230] =	vst v2;
	v2 =	vld.idx.msk [tilespmem:v37+s9+$0x0], $0xffff  }
0x29a: {  	v24 =	vor.u32 $0xC0, v6;
	[tilespmem:s18+$0x240] =	vst v4;
	v4 =	vld.idx.msk [tilespmem:v35+s9+$0x0], $0xffff  }
0x29b: {  	v28 =	vor.u32 $0xC0, v52;
	[tilespmem:s18+$0x260] =	vst v10;
	v31 =	vld.idx.msk [tilespmem:v36+s9+$0x0], $0xffff  }
0x29c: {  	v26 =	vor.u32 $0xC0, v56;
	v10 =	vld.idx.msk [tilespmem:v34+s9+$0x0], $0xffff;
	[tilespmem:s18+$0x290] =	vst v39  }
0x29d: {  	v29 =	vor.u32 $0xC0, v53;
	v33 =	vld.idx.msk [tilespmem:v33+s9+$0x0], $0xffff;
	[tilespmem:s18+$0x3F0] =	vst v0  }
0x29e: {  	v25 =	vor.u32 $0xC0, v7;
	v0 =	vld.idx.msk [tilespmem:v12+s9+$0x0], $0xffff;
	[tilespmem:s18+$0x2A0] =	vst v2  }
0x29f: {  	v27 =	vor.u32 $0xC0, v54;
	[tilespmem:s18+$0x2B0] =	vst v4;
	v4 =	vld.idx.msk [tilespmem:v24+s9+$0x0], $0xffff  }
0x2a0: {  	v12 =	vor.u32 $0x120, v1;
	[tilespmem:s18+$0x2C0] =	vst v31;
	v24 =	vld.idx.msk [tilespmem:v28+s9+$0x0], $0xffff  }
0x2a1: {  	v63 =	vor.u32 $0xE0, v52;
	[tilespmem:s18+$0x2D0] =	vst v10;
	v10 =	vld.idx.msk [tilespmem:v26+s9+$0x0], $0xffff  }
0x2a2: {  	v50 =	vor.u32 $0xE0, v56;
	[tilespmem:s18+$0x300] =	vst v23;
	v23 =	vld.idx.msk [tilespmem:v29+s9+$0x0], $0xffff  }
0x2a3: {  	v57 =	vor.u32 $0xE0, v8;
	[tilespmem:s18+$0x2E0] =	vst v33;
	v2 =	vld.idx.msk [tilespmem:v25+s9+$0x0], $0xffff  }
0x2a4: {  	v22 =	vor.u32 $0xE0, v7;
	v25 =	vld.idx.msk [tilespmem:v27+s9+$0x0], $0xffff;
	[tilespmem:s18+$0x4070] =	vst v0  }
0x2a5: {  	v58 =	vor.u32 $0xE0, v6;
	v0 =	vld.idx.msk [tilespmem:v12+s9+$0x0], $0xffff;
	[tilespmem:s18+$0x330] =	vst v24  }
0x2a6: {  	v12 =	vor.u32 $0x140, v1;
	[tilespmem:s18+$0x340] =	vst v10;
	v10 =	vld.idx.msk [tilespmem:v63+s9+$0x0], $0xffff  }
0x2a7: {  	v59 =	vor.u32 $0x100, v52;
	[tilespmem:s18+$0x350] =	vst v23;
	v23 =	vld.idx.msk [tilespmem:v50+s9+$0x0], $0xffff  }
0x2a8: {  	[tilespmem:s18+$0x310] =	vst v2;
	v2 =	vld.idx.msk [tilespmem:v57+s9+$0x0], $0xffff  }
0x2a9: {  	[tilespmem:s18+$0x320] =	vst v4;
	v4 =	vld.idx.msk [tilespmem:v22+s9+$0x0], $0xffff  }
0x2aa: {  	v61 =	vor.u32 $0xE0, v54;
	[tilespmem:s18+$0x40F0] =	vst v0;
	v22 =	vld.idx.msk [tilespmem:v58+s9+$0x0], $0xffff  }
0x2ab: {  	v51 =	vor.u32 $0x100, v6;
	v0 =	vld.idx.msk [tilespmem:v12+s9+$0x0], $0xffff;
	[tilespmem:s18+$0x3B0] =	vst v10  }
0x2ac: {  	[tilespmem:s18+$0x3C0] =	vst v23;
	v23 =	vld.idx.msk [tilespmem:v59+s9+$0x0], $0xffff  }
0x2ad: {  	[tilespmem:s18+$0x360] =	vst v25;
	v12 =	vor.u32 $0x160, v1  }
0x2ae: {  	[tilespmem:s18+$0x380] =	vst v2  }
0x2af: {  	v46 =	vor.u32 $0xE0, v53;
	v2 =	vld.idx.msk [tilespmem:v61+s9+$0x0], $0xffff;
	[tilespmem:s18+$0x3A0] =	vst v22  }
0x2b0: {  	[tilespmem:s18+$0x4170] =	vst v0;
	v10 =	vld.idx.msk [tilespmem:v51+s9+$0x0], $0xffff  }
0x2b1: {  	v62 =	vor.u32 $0x100, v8;
	[tilespmem:s18+$0x4030] =	vst v23;
	v23 =	vld [tilespmem:$0x1FC50]  }
0x2b2: {  	v0 =	vld.idx.msk [tilespmem:v12+s9+$0x0], $0xffff  }
0x2b3: {  	v12 =	vor.u32 $0x180, v1  }
0x2b4: {  	v24 =	vld.idx.msk [tilespmem:v46+s9+$0x0], $0xffff;
	[tilespmem:s18+$0x390] =	vst v4  }
0x2b5: {  	v60 =	vor.u32 $0x100, v7;
	[tilespmem:s18+$0x3E0] =	vst v2;
	v2 =	vld [tilespmem:$0x1FC20]  }
0x2b6: {  	v55 =	vor.u32 $0x100, v56;
	v4 =	vld.idx.msk [tilespmem:v62+s9+$0x0], $0xffff;
	[tilespmem:s18+$0x4020] =	vst v10  }
0x2b7: {  	v47 =	vor.u32 $0x100, v54;
	v10 =	vld [tilespmem:$0x1FC40];
	[tilespmem:s18+$0x41F0] =	vst v0  }
0x2b8: {  	v0 =	vld.idx.msk [tilespmem:v12+s9+$0x0], $0xffff  }
0x2b9: {  	v23 =	vld.idx.msk [tilespmem:v23+s9+$0x0], $0xffff  }
0x2ba: {  	v22 =	vld.idx.msk [tilespmem:v60+s9+$0x0], $0xffff;
	v12 =	vor.u32 $0x1A0, v1  }
0x2bb: {  	[tilespmem:s18+$0x3D0] =	vst v24;
	v24 =	vld.idx.msk [tilespmem:v55+s9+$0x0], $0xffff  }
0x2bc: {  	[tilespmem:s18+$0x4000] =	vst v4;
	v4 =	vld.idx.msk [tilespmem:v47+s9+$0x0], $0xffff  }
0x2bd: {  	v2 =	vld.idx.msk [tilespmem:v2+s9+$0x0], $0xffff;
	[tilespmem:s18+$0x4270] =	vst v0  }
0x2be: {  	[tilespmem:s18+$0x40A0] =	vst v23;
	v23 =	vld [tilespmem:$0x1FCB0]  }
0x2bf: {  	[tilespmem:s18+$0x4010] =	vst v22;
	v0 =	vld.idx.msk [tilespmem:v12+s9+$0x0], $0xffff  }
0x2c0: {  	v10 =	vld.idx.msk [tilespmem:v10+s9+$0x0], $0xffff;
	v12 =	vor.u32 $0x1C0, v1  }
0x2c1: {  	[tilespmem:s18+$0x4040] =	vst v24;
	v24 =	vld [tilespmem:$0x1FC60]  }
0x2c2: {  	[tilespmem:s18+$0x4050] =	vst v2;
	v2 =	vld [tilespmem:$0x1FC70];
	_ =	sdelay $0x1  }
0x2c3: {  	[tilespmem:s18+$0x42F0] =	vst v0  }
0x2c4: {  	[tilespmem:s18+$0x4090] =	vst v10;
	v0 =	vld.idx.msk [tilespmem:v12+s9+$0x0], $0xffff  }
0x2c5: {  	v23 =	vld.idx.msk [tilespmem:v23+s9+$0x0], $0xffff  }
0x2c6: {  	[tilespmem:s18+$0x4060] =	vst v4;
	v4 =	vld [tilespmem:$0x1FC80];
	v1 =	vor.u32 $0x1E0, v1;
	_ =	sdelay $0x1  }
0x2c7: {  	v24 =	vld.idx.msk [tilespmem:v24+s9+$0x0], $0xffff  }
0x2c8: {  	v2 =	vld.idx.msk [tilespmem:v2+s9+$0x0], $0xffff;
	[tilespmem:s18+$0x4370] =	vst v0  }
0x2c9: {  	[tilespmem:s18+$0x4110] =	vst v23;
	v23 =	vld [tilespmem:$0x1FD20]  }
0x2ca: {  	v0 =	vld.idx.msk [tilespmem:v1+s9+$0x0], $0xffff;
	_ =	sdelay $0x1  }
0x2cb: {  	[tilespmem:s18+$0x40B0] =	vst v24;
	v24 =	vld [tilespmem:$0x1FCC0]  }
0x2cc: {  	v4 =	vld.idx.msk [tilespmem:v4+s9+$0x0], $0xffff  }
0x2cd: {  	[tilespmem:s18+$0x40C0] =	vst v2;
	v2 =	vld [tilespmem:$0x1FCD0]  }
0x2ce: {  	[tilespmem:s18+$0x43F0] =	vst v0;
	v0 =	vld [tilespmem:$0x1FD90]  }
0x2cf: {  	v10 =	vld [tilespmem:$0x1FC90]  }
0x2d0: {  	v23 =	vld.idx.msk [tilespmem:v23+s9+$0x0], $0xffff  }
0x2d1: {  	v1 =	vld [tilespmem:$0x1FD30]  }
0x2d2: {  	v22 =	vld [tilespmem:$0x1FC30]  }
0x2d3: {  	v24 =	vld.idx.msk [tilespmem:v24+s9+$0x0], $0xffff  }
0x2d4: {  	[tilespmem:s18+$0x40D0] =	vst v4;
	v4 =	vld [tilespmem:$0x1FCE0]  }
0x2d5: {  	v2 =	vld.idx.msk [tilespmem:v2+s9+$0x0], $0xffff;
	[tilespmem:s18+$0x4190] =	vst v23  }
0x2d6: {  	v27 =	vld.idx.msk [tilespmem:v0+s9+$0x0], $0xffff  }
0x2d7: {  	v0 =	vld [tilespmem:$0x1FDA0]  }
0x2d8: {  	v10 =	vld.idx.msk [tilespmem:v10+s9+$0x0], $0xffff;
	[tilespmem:s18+$0x4120] =	vst v24  }
0x2d9: {  	v1 =	vld.idx.msk [tilespmem:v1+s9+$0x0], $0xffff  }
0x2da: {  	[tilespmem:s18+$0x4130] =	vst v2;
	v2 =	vld [tilespmem:$0x1FD40];
	_ =	sdelay $0x1  }
0x2db: {  	v22 =	vld.idx.msk [tilespmem:v22+s9+$0x0], $0xffff  }
0x2dc: {  	v4 =	vld.idx.msk [tilespmem:v4+s9+$0x0], $0xffff;
	[tilespmem:s18+$0x40E0] =	vst v10  }
0x2dd: {  	v13 =	vor.u32 $0x180, v52;
	v10 =	vld [tilespmem:$0x1FCF0];
	[tilespmem:s18+$0x41A0] =	vst v1  }
0x2de: {  	[tilespmem:$0x1FDB0] =	vst v13;
	v23 =	vld.idx.msk [tilespmem:v0+s9+$0x0], $0xffff  }
0x2df: {  	v0 =	vld [tilespmem:$0x1FDB0]  }
0x2e0: {  	[tilespmem:s18+$0x4080] =	vst v22;
	v22 =	vld [tilespmem:$0x1FCA0]  }
0x2e1: {  	v2 =	vld.idx.msk [tilespmem:v2+s9+$0x0], $0xffff  }
0x2e2: {  	[tilespmem:s18+$0x4140] =	vst v4;
	v4 =	vld [tilespmem:$0x1FD50];
	_ =	sdelay $0x2  }
0x2e3: {  	v12 =	vld [tilespmem:$0x1FD00]  }
0x2e4: {  	v13 =	vor.u32 $0x180, v56;
	v10 =	vld.idx.msk [tilespmem:v10+s9+$0x0], $0xffff;
	[tilespmem:s18+$0x41B0] =	vst v2  }
0x2e5: {  	[tilespmem:$0x1FDC0] =	vst v13;
	v24 =	vld.idx.msk [tilespmem:v0+s9+$0x0], $0xffff  }
0x2e6: {  	v0 =	vld [tilespmem:$0x1FDC0]  }
0x2e7: {  	v22 =	vld.idx.msk [tilespmem:v22+s9+$0x0], $0xffff  }
0x2e8: {  	v4 =	vld.idx.msk [tilespmem:v4+s9+$0x0], $0xffff  }
0x2e9: {  	[tilespmem:s18+$0x4150] =	vst v10;
	v10 =	vld [tilespmem:$0x1FD60];
	_ =	sdelay $0x2  }
0x2ea: {  	[tilespmem:s18+$0x4100] =	vst v22;
	v22 =	vld [tilespmem:$0x1FD10]  }
0x2eb: {  	v13 =	vor.u32 $0x180, v53;
	v12 =	vld.idx.msk [tilespmem:v12+s9+$0x0], $0xffff;
	[tilespmem:s18+$0x41C0] =	vst v4  }
0x2ec: {  	[tilespmem:$0x1FDD0] =	vst v13;
	v25 =	vld.idx.msk [tilespmem:v0+s9+$0x0], $0xffff  }
0x2ed: {  	v0 =	vld [tilespmem:$0x1FDD0]  }
0x2ee: {  	v14 =	vor.u32 $0x160, v54  }
0x2ef: {  	[tilespmem:$0x1FD70] =	vst v14;
	v10 =	vld.idx.msk [tilespmem:v10+s9+$0x0], $0xffff  }
0x2f0: {  	[tilespmem:s18+$0x4160] =	vst v12;
	v12 =	vld [tilespmem:$0x1FD70];
	_ =	sdelay $0x3  }
0x2f1: {  	v22 =	vld.idx.msk [tilespmem:v22+s9+$0x0], $0xffff;
	[tilespmem:s18+$0x41D0] =	vst v10  }
0x2f2: {  	v1 =	vld.idx.msk [tilespmem:v0+s9+$0x0], $0xffff  }
0x2f3: {  	v0 =	vld [tilespmem:$0x1FDE0];
	_ =	sdelay $0x1  }
0x2f4: {  	v12 =	vld.idx.msk [tilespmem:v12+s9+$0x0], $0xffff  }
0x2f5: {  	[tilespmem:s18+$0x4180] =	vst v22;
	v22 =	vld [tilespmem:$0x1FD80];
	_ =	sdelay $0x3  }
0x2f6: {  	v13 =	vor.u32 $0x1A0, v8;
	[tilespmem:s18+$0x41E0] =	vst v12  }
0x2f7: {  	[tilespmem:$0x1FDF0] =	vst v13;
	v26 =	vld.idx.msk [tilespmem:v0+s9+$0x0], $0xffff  }
0x2f8: {  	v0 =	vld [tilespmem:$0x1FDF0];
	_ =	sdelay $0x1  }
0x2f9: {  	s20 =	sadd.s32 $0x8, s20;
	v49 =	vor.u32 $0x1C0, v52;
	v48 =	vor.u32 $0x1E0, v56;
	v22 =	vld.idx.msk [tilespmem:v22+s9+$0x0], $0xffff  }
0x2fa: {  	p0 =	slt.u32 s20, $0x78;
	v17 =	vor.u32 $0x1A0, v56;
	v21 =	vor.u32 $0x1A0, v6;
	v14 =	vor.u32 $0x1C0, v8  }
.Ltmp2:
0x2fb: {  	v18 =	vor.u32 $0x1A0, v53;
	v20 =	vor.u32 $0x1A0, v7;
	v16 =	vor.u32 $0x1A0, v54;
	(pc) =	sbr.rel @p0 .LBB2_7-.Ltmp2, $4  }
0x2fc: {  	v11 =	vor.u32 $0x1C0, v56;
	v8 =	vor.u32 $0x1E0, v8;
	v19 =	vor.u32 $0x1A0, v52  }
0x2fd: {  	v13 =	vor.u32 $0x1C0, v6;
	v6 =	vor.u32 $0x1E0, v6;
	v30 =	vor.u32 $0x1C0, v54  }
0x2fe: {  	v5 =	vor.u32 $0x1E0, v52;
	v32 =	vor.u32 $0x1E0, v54;
	v3 =	vor.u32 $0x1E0, v53;
	[tilespmem:s18+$0x4200] =	vst v22  }
0x2ff: {  	s21 =	sadd.s32 $0x80, s21;
	s19 =	smov.u32 s18;
	v9 =	vor.u32 $0x1C0, v53;
	v15 =	vor.u32 $0x1C0, v7;
	v7 =	vor.u32 $0x1E0, v7;
	[tilespmem:s18+$0x4210] =	vst v27;
	v0 =	vld.idx.msk [tilespmem:v0+s9+$0x0], $0xffff  }
0x300: {  	_ =	sdelay $0x2  }
0x301: {  	[tilespmem:s18+$0x4220] =	vst v23  }
0x302: {  	[tilespmem:s18+$0x4230] =	vst v24;
	v2 =	vld.idx.msk [tilespmem:v20+s9+$0x0], $0xffff  }
0x303: {  	[tilespmem:s18+$0x4240] =	vst v25;
	v4 =	vld.idx.msk [tilespmem:v21+s9+$0x0], $0xffff  }
0x304: {  	[tilespmem:s18+$0x4250] =	vst v1;
	v51 =	vld.idx.msk [tilespmem:v19+s9+$0x0], $0xffff  }
0x305: {  	[tilespmem:s18+$0x4260] =	vst v26;
	v10 =	vld.idx.msk [tilespmem:v17+s9+$0x0], $0xffff  }
0x306: {  	v52 =	vld.idx.msk [tilespmem:v18+s9+$0x0], $0xffff;
	[tilespmem:s18+$0x4280] =	vst v0  }
0x307: {  	v12 =	vld.idx.msk [tilespmem:v16+s9+$0x0], $0xffff;
	[tilespmem:s18+$0x4290] =	vst v2  }
0x308: {  	v53 =	vld.idx.msk [tilespmem:v14+s9+$0x0], $0xffff;
	[tilespmem:s18+$0x42A0] =	vst v4  }
0x309: {  	v54 =	vld.idx.msk [tilespmem:v15+s9+$0x0], $0xffff;
	[tilespmem:s18+$0x42B0] =	vst v51  }
0x30a: {  	[tilespmem:s18+$0x42C0] =	vst v10;
	v55 =	vld.idx.msk [tilespmem:v13+s9+$0x0], $0xffff  }
0x30b: {  	[tilespmem:s18+$0x42D0] =	vst v52;
	v56 =	vld.idx.msk [tilespmem:v49+s9+$0x0], $0xffff  }
0x30c: {  	[tilespmem:s18+$0x42E0] =	vst v12;
	v57 =	vld.idx.msk [tilespmem:v11+s9+$0x0], $0xffff  }
0x30d: {  	v58 =	vld.idx.msk [tilespmem:v9+s9+$0x0], $0xffff;
	[tilespmem:s18+$0x4300] =	vst v53  }
0x30e: {  	v59 =	vld.idx.msk [tilespmem:v30+s9+$0x0], $0xffff;
	[tilespmem:s18+$0x4310] =	vst v54  }
0x30f: {  	v8 =	vld.idx.msk [tilespmem:v8+s9+$0x0], $0xffff;
	[tilespmem:s19+$0x4320] =	vst v55  }
0x310: {  	v60 =	vld.idx.msk [tilespmem:v7+s9+$0x0], $0xffff;
	[tilespmem:s19+$0x4330] =	vst v56  }
0x311: {  	[tilespmem:s19+$0x4340] =	vst v57;
	v6 =	vld.idx.msk [tilespmem:v6+s9+$0x0], $0xffff  }
0x312: {  	[tilespmem:s19+$0x4350] =	vst v58;
	v61 =	vld.idx.msk [tilespmem:v5+s9+$0x0], $0xffff  }
0x313: {  	[tilespmem:s19+$0x4360] =	vst v59;
	v62 =	vld.idx.msk [tilespmem:v48+s9+$0x0], $0xffff  }
0x314: {  	v3 =	vld.idx.msk [tilespmem:v3+s9+$0x0], $0xffff;
	[tilespmem:s19+$0x4380] =	vst v8  }
0x315: {  	v63 =	vld.idx.msk [tilespmem:v32+s9+$0x0], $0xffff;
	[tilespmem:s19+$0x4390] =	vst v60  }
0x316: {  	[tilespmem:s19+$0x43A0] =	vst v6  }
0x317: {  	[tilespmem:s19+$0x43B0] =	vst v61  }
0x318: {  	s16 =	sshll.u32 s16, $0x4;
	[tilespmem:s19+$0x43C0] =	vst v62  }
0x319: {  	s17 =	sadd.s32 s2, s17;
	s16 =	sand.u32 $0x70, s16;
	[tilespmem:s19+$0x43D0] =	vst v3  }
0x31a: {  	p0 =	por $0x1, $0x1;
	s16 =	sadd.s32 s16, s17;
	s17 =	simm.s32 $0x0;
	[tilespmem:s19+$0x43E0] =	vst v63  }
.LBB2_9:
0x31b: {  	s18 =	sshll.u32 s17, $0xE  }
0x31c: {  	s23 =	sshll.u32 s17, $0x16;
	s18 =	sand.u32 $0x3FFFC000, s18  }
0x31d: {  	s17 =	sadd.s32 s23, s16;
	s19 =	sadd.s32 $0x8A00, s18  }
0x31e: {  	[hbm4b:s17+s10] =	stream.strided.scatter [tilespmem:s19], [sflag:$0x2], $0x400, s11, s10, $0x38;
	[tilespmem:$0x10A00] =	vst v63  }
0x31f: {  	s24 =	sadd.s32 $0x8E00, s18;
	s20 =	sadd.s32 $0x80, s17  }
0x320: {  	[hbm4b:s20+s10] =	stream.strided.scatter [tilespmem:s24], [sflag:$0x2], $0x400, s11, s10, $0x38;
	[tilespmem:$0x10A00] =	vst v63  }
0x321: {  	s25 =	sadd.s32 $0x9200, s18;
	s26 =	sadd.s32 $0x100, s17  }
0x322: {  	[hbm4b:s26+s10] =	stream.strided.scatter [tilespmem:s25], [sflag:$0x2], $0x400, s11, s10, $0x38;
	[tilespmem:$0x10A00] =	vst v63  }
0x323: {  	s28 =	sadd.s32 $0x9600, s18;
	s29 =	sadd.s32 $0x180, s17  }
0x324: {  	[hbm4b:s29+s10] =	stream.strided.scatter [tilespmem:s28], [sflag:$0x2], $0x400, s11, s10, $0x38;
	[tilespmem:$0x10A00] =	vst v63  }
0x325: {  	s30 =	sadd.s32 $0x9A00, s18;
	s31 =	sadd.s32 $0x200, s17  }
0x326: {  	[hbm4b:s31+s10] =	stream.strided.scatter [tilespmem:s30], [sflag:$0x2], $0x400, s11, s10, $0x38;
	[tilespmem:$0x10A00] =	vst v63  }
0x327: {  	s21 =	sadd.s32 $0x9E00, s18;
	s22 =	sadd.s32 $0x280, s17  }
0x328: {  	[hbm4b:s22+s10] =	stream.strided.scatter [tilespmem:s21], [sflag:$0x2], $0x400, s11, s10, $0x38;
	[tilespmem:$0x10A00] =	vst v63  }
0x329: {  	s23 =	sadd.s32 $0xA200, s18;
	s24 =	sadd.s32 $0x300, s17  }
0x32a: {  	[hbm4b:s24+s10] =	stream.strided.scatter [tilespmem:s23], [sflag:$0x2], $0x400, s11, s10, $0x38;
	[tilespmem:$0x10A00] =	vst v63  }
0x32b: {  	s25 =	sadd.s32 $0xA600, s18;
	s26 =	sadd.s32 $0x380, s17  }
0x32c: {  	[hbm4b:s26+s10] =	stream.strided.scatter [tilespmem:s25], [sflag:$0x2], $0x400, s11, s10, $0x38;
	[tilespmem:$0x10A00] =	vst v63  }
0x32d: {  	s28 =	sadd.s32 $0xAA00, s18;
	s29 =	sadd.s32 $0x400, s17  }
0x32e: {  	[hbm4b:s29+s10] =	stream.strided.scatter [tilespmem:s28], [sflag:$0x2], $0x400, s11, s10, $0x38;
	[tilespmem:$0x10A00] =	vst v63  }
0x32f: {  	s30 =	sadd.s32 $0xAE00, s18;
	s31 =	sadd.s32 $0x480, s17  }
0x330: {  	[hbm4b:s31+s10] =	stream.strided.scatter [tilespmem:s30], [sflag:$0x2], $0x400, s11, s10, $0x38;
	[tilespmem:$0x10A00] =	vst v63  }
0x331: {  	s21 =	sadd.s32 $0xB200, s18;
	s22 =	sadd.s32 $0x500, s17  }
0x332: {  	[hbm4b:s22+s10] =	stream.strided.scatter [tilespmem:s21], [sflag:$0x2], $0x400, s11, s10, $0x38;
	[tilespmem:$0x10A00] =	vst v63  }
0x333: {  	s23 =	sadd.s32 $0xB600, s18;
	s24 =	sadd.s32 $0x580, s17  }
0x334: {  	[hbm4b:s24+s10] =	stream.strided.scatter [tilespmem:s23], [sflag:$0x2], $0x400, s11, s10, $0x38;
	[tilespmem:$0x10A00] =	vst v63  }
0x335: {  	s25 =	sadd.s32 $0xBA00, s18;
	s26 =	sadd.s32 $0x600, s17  }
0x336: {  	[hbm4b:s26+s10] =	stream.strided.scatter [tilespmem:s25], [sflag:$0x2], $0x400, s11, s10, $0x38;
	[tilespmem:$0x10A00] =	vst v63  }
0x337: {  	p1 =	por p0, p0;
	s28 =	sadd.s32 $0xBE00, s18;
	s29 =	sadd.s32 $0x680, s17  }
0x338: {  	[hbm4b:s29+s10] =	stream.strided.scatter [tilespmem:s28], [sflag:$0x2], $0x400, s11, s10, $0x38;
	[tilespmem:$0x10A00] =	vst v63  }
.Ltmp3:
0x339: {  	s30 =	sadd.s32 $0xC200, s18;
	s31 =	sadd.s32 $0x700, s17;
	(pc) =	sbr.rel @p1 .LBB2_9-.Ltmp3, $4  }
0x33a: {  	[hbm4b:s31+s10] =	stream.strided.scatter [tilespmem:s30], [sflag:$0x2], $0x400, s11, s10, $0x38;
	[tilespmem:$0x10A00] =	vst v63  }
0x33b: {  	s18 =	sadd.s32 $0xC600, s18;
	s17 =	sadd.s32 $0x780, s17  }
0x33c: {  	[hbm4b:s17+s10] =	stream.strided.scatter [tilespmem:s18], [sflag:$0x2], $0x400, s11, s10, $0x38;
	[tilespmem:$0x10A00] =	vst v63  }
0x33d: {  	p0 =	por $0x0, $0x0;
	s17 =	simm.s32 $0x1  }
0x33e: {  	s15 =	sadd.s32 $0x1, s15  }
0x33f: {  	p0 =	sne.s32 s15, $0x20  }
.Ltmp4:
0x340: {  	_ = 	snop;
	(pc) =	sbr.rel @p0 .LBB2_2-.Ltmp4, $1  }
0x341: {  	_ =	sdelay $0x3  }
0x342: {  	s14 =	sadd.s32 $0x1, s14  }
0x343: {  	_ =	swait.ge [sflag:s12], $0x8000;
	p0 =	sne.s32 s14, s7  }
.Ltmp5:
0x344: {  	[sflag:s12] =	ssyncset.done $0x0;
	(pc) =	sbr.rel @p0 .LBB2_1-.Ltmp5, $4  }
0x345: {  	[sflag:s12] =	ssyncadd.s32 $0xFFFF8000  }
0x346: {  	_ =	swait.ge [sflag:s13], $0x8000  }
0x347: {  	[sflag:s13] =	ssyncset.done $0x0  }
0x348: {  	[sflag:s13] =	ssyncadd.s32 $0xFFFF8000  }
0x349: {  	_ =	sfence.sel $0x180000  }
0x34a: {  	[bflag:$0x0] =	sbarrier.arrive $0xFFFF  }
0x34b: {  	p0 =	sne.s32 s4, $0x0;
	_ =	strace $0x90000047  }
0x34c: {  	s0 =	sadd.s32 @!p0 $0x100000, s0;
	[bflag:$0x2] =	sbarrier.arrive $0xFFFF  }
0x34d: {  	[sflag:s0] =	ssyncadd.tile.s32 @!p0 $0x1;
	_ =	shalt  }
.Lfunc_end2:
_tile_overlayer_lowered:
.L_overlay_start_2:
0x34e: {  	(tag) =	ssettag $0x2  }
0x34f: {  	s0 =	rddreg [dreg:$0x0];
	s2 =	stileid.u32  }
0x350: {  	s1 =	rddreg [dreg:$0x1];
	p0 =	sne.s32 s2, $0x0  }
0x351: {  	s3 =	rddreg [dreg:$0x2];
	[bflag:$0x3] =	sbarrier.arrive $0xFFFF;
	s2 =	simm.s32 @!p0 $0x1C03  }
0x352: {  	[timem:s3], [sflag:s2] =	dma.local @!p0 [hbm:s0], s1  }
0x353: {  	s0 =	simm.s32 @!p0 $0x3  }
0x354: {  	_ =	swait.ge @!p0 [sflag:s0], s1  }
0x355: {  	s1 =	ssub.s32 @!p0 $0x0, s1;
	[sflag:s0] =	ssyncset.done @!p0 $0x0  }
0x356: {  	[sflag:s0] =	ssyncadd.s32 @!p0 s1  }
0x357: {  	[bflag:$0x3] =	sbarrier.arrive $0xFFFF  }
0x358: {  	_ =	shalt  }

</sc_bundles>
